<compile_context>
chip_gen: v7x
topology: tpu7x:2x2x1
jax: 0.10.2.dev20260603
libtpu: 0.0.44.dev20260713+nightly
codegen_flags: <defaults>
</compile_context>

<pallas_src>
import functools

import jax
import jax.numpy as jnp
from jax import lax
from jax.experimental import pallas as pl
from jax.experimental.pallas import tpu as pltpu
from jax.experimental.pallas import tpu_sc as plsc

_B = 16384
_S = 50
_F = 32
_NC, _NS = 2, 16
_NW = _NC * _NS
_QB = 1024
_NQ = _B // _QB
_NJOB = _S * _NQ
_PER_W = _NJOB // _NW
_GROUP = 128

_mesh = plsc.VectorSubcoreMesh(core_axis_name="c", subcore_axis_name="s")


@functools.partial(
    pl.kernel,
    mesh=_mesh,
    out_type=jax.ShapeDtypeStruct((_S, _F // 8, _B // 128, 8, 128),
                                  jnp.float32),
    scratch_types=[
        pltpu.VMEM((_QB,), jnp.int32),
        pltpu.VMEM((_QB,), jnp.int32),
        pltpu.VMEM((_QB, _F), jnp.float32),
        pltpu.VMEM((_QB, _F), jnp.float32),
        pltpu.VMEM((_F // 8, _QB // 128, 8, 128), jnp.float32),
        pltpu.SemaphoreType.DMA,
        pltpu.SemaphoreType.DMA,
        pltpu.SemaphoreType.DMA,
    ],
    compiler_params=pltpu.CompilerParams(
        use_tc_tiling_on_sc=False, needs_layout_passes=False),
)
def _embed_gather(idx_hbm, table_hbm, out_hbm, idx0, idx1, rows0, rows1,
                  outt_v, semg0, semg1, sems):
    wid = lax.axis_index("s") * _NC + lax.axis_index("c")
    jbase = wid * _PER_W

    def fetch(t, idx_v, rows_v, semg):
        jg = jbase + t
        s = jg // _NQ
        q = jg % _NQ
        pltpu.sync_copy(idx_hbm.at[s, pl.ds(q * _QB, _QB)], idx_v)
        for r in range(_QB // _GROUP):
            pltpu.async_copy(
                table_hbm.at[idx_v.at[pl.ds(r * _GROUP, _GROUP)]],
                rows_v.at[pl.ds(r * _GROUP, _GROUP), :],
                semg,
            )

    def wait_rows(rows_v, semg):
        pltpu.make_async_copy(
            table_hbm.at[pl.ds(0, _QB)], rows_v, semg).wait()

    def drain_store(first):
        @pl.when(jnp.logical_not(first))
        def _():
            pltpu.make_async_copy(
                outt_v, out_hbm.at[0, :, pl.ds(0, _QB // 128)], sems).wait()

    def transpose_store(t, rows_v, first):
        jg = jbase + t
        s = jg // _NQ
        q = jg % _NQ

        drain_store(first)

        f16 = lax.iota(jnp.int32, 16)
        fb0 = f16 >> 3
        fr0 = f16 & 7

        @plsc.parallel_loop(0, _QB, unroll=4)
        def trow(r):
            bcv = jnp.full((16,), r >> 7, jnp.int32)
            bwv = jnp.full((16,), r & 127, jnp.int32)
            v0 = rows_v[r, pl.ds(0, 16)]
            v1 = rows_v[r, pl.ds(16, 16)]
            plsc.store_scatter(outt_v, [fb0, bcv, fr0, bwv], v0)
            plsc.store_scatter(outt_v, [fb0 + 2, bcv, fr0, bwv], v1)

        for fb in range(_F // 8):
            pltpu.async_copy(
                outt_v.at[fb],
                out_hbm.at[s, fb, pl.ds(q * (_QB // 128), _QB // 128)],
                sems,
            )

    fetch(0, idx0, rows0, semg0)

    def pair(i, carry):
        ta = 2 * i
        fetch(ta + 1, idx1, rows1, semg1)
        wait_rows(rows0, semg0)
        transpose_store(ta, rows0, i == 0)

        @pl.when(i < _PER_W // 2 - 1)
        def _():
            fetch(ta + 2, idx0, rows0, semg0)

        wait_rows(rows1, semg1)
        transpose_store(ta + 1, rows1, False)
        return carry

    lax.fori_loop(0, _PER_W // 2, pair, 0)

    fetch(_PER_W - 1, idx0, rows0, semg0)
    wait_rows(rows0, semg0)
    transpose_store(_PER_W - 1, rows0, False)
    drain_store(False)


def kernel(inputs, embedding):
    out5 = _embed_gather(inputs.T, embedding)
    return out5.transpose((2, 4, 0, 1, 3)).reshape(_B, _S, _F)

# --- scband reference (transcript-rebuilt; emitter-appended) ---
"""Pipeline reference for scband-embed-34643206210175 (READ-ONLY COPY).

The authoritative reference and input builder live on the scoring server;
editing this copy changes nothing except your own understanding.
"""

import jax, jax.numpy as jnp
import numpy as np

NUM_EMBEDDINGS = 1000000
FEATURES = 32


def setup_inputs(seed: int = 0) -> dict:
    key = jax.random.key(seed)
    k_idx, k_emb = jax.random.split(key)
    inputs = jax.random.randint(k_idx, (16384, 50), 0, NUM_EMBEDDINGS, dtype=jnp.int64 if jax.config.jax_enable_x64 else jnp.int32)
    # variance_scaling(1.0, 'fan_in', 'normal', out_axis=0): fan_in = FEATURES
    std = (1.0 / FEATURES) ** 0.5
    embedding = jax.random.normal(k_emb, (NUM_EMBEDDINGS, FEATURES), dtype=jnp.float32) * std
    return {"inputs": inputs, "embedding": embedding}


def reference(inputs, embedding):
    # Single-device path of the flax Embed: mesh is None / no 'data' mesh axis,
    # so embed_fn = partial(jnp.take, axis=0)
    return jnp.take(embedding, inputs, axis=0)

if __name__ == "__main__":
    import jax
    _d = setup_inputs()
    print(jax.jit(kernel)(*tuple(_d.values())))

</pallas_src>

<mosaic_0001>
#map = affine_map<(d0, d1) -> (0, 0)>
#map1 = affine_map<(d0, d1) -> (0, 0, 0, 0, 0)>
module attributes {stable_mosaic.version = 14 : i64} {
  func.func @_embed_gather(%arg0: i32, %arg1: i32, %arg2: memref<50x16384xi32, #tpu.memory_space<hbm>>, %arg3: memref<1000000x32xf32, #tpu.memory_space<hbm>>, %arg4: memref<50x4x128x8x128xf32, #tpu.memory_space<hbm>>, %arg5: memref<1024xi32, #tpu.memory_space<vmem>>, %arg6: memref<1024xi32, #tpu.memory_space<vmem>>, %arg7: memref<1024x32xf32, #tpu.memory_space<vmem>>, %arg8: memref<1024x32xf32, #tpu.memory_space<vmem>>, %arg9: memref<4x8x8x128xf32, #tpu.memory_space<vmem>>, %arg10: memref<!tpu.dma_semaphore, #tpu.memory_space<semaphore_mem>>, %arg11: memref<!tpu.dma_semaphore, #tpu.memory_space<semaphore_mem>>, %arg12: memref<!tpu.dma_semaphore, #tpu.memory_space<semaphore_mem>>) attributes {dimension_semantics = [#tpu.dimension_semantics<core_parallel>, #tpu.dimension_semantics<subcore_parallel>], iteration_bounds = array<i64: 2, 16>, scalar_prefetch = 0 : i64, scratch_operands = 8 : i64, tpu.core_type = #tpu.core_type<sc_vector_subcore>, window_params = [{transform_indices = #map}, {transform_indices = #map}, {transform_indices = #map1}]} {
    %mul3A = arith.constant 2 : i32
    %mul3A_0 = arith.muli %arg1, %mul3A : i32
    %add3A = arith.addi %mul3A_0, %arg0 : i32
    %mul3A_1 = arith.constant 25 : i32
    %mul3A_2 = arith.muli %add3A, %mul3A_1 : i32
    %add3A_3 = arith.constant 0 : i32
    %add3A_4 = arith.addi %mul3A_2, %add3A_3 : i32
    %jit3A = arith.constant 16 : i32
    %div3A = arith.divsi %add3A_4, %jit3A : i32
    %sign3A = arith.constant 0 : i32
    %sign3A_5 = arith.cmpi sgt, %add3A_4, %sign3A : i32
    %sign3A_6 = arith.extui %sign3A_5 : i1 to i32
    %sign3A_7 = arith.constant 0 : i32
    %sign3A_8 = arith.cmpi slt, %add3A_4, %sign3A_7 : i32
    %sign3A_9 = arith.extui %sign3A_8 : i1 to i32
    %sign3A_10 = arith.subi %sign3A_6, %sign3A_9 : i32
    %sign3A_11 = arith.constant 0 : i32
    %sign3A_12 = arith.cmpi sgt, %jit3A, %sign3A_11 : i32
    %sign3A_13 = arith.extui %sign3A_12 : i1 to i32
    %sign3A_14 = arith.constant 0 : i32
    %sign3A_15 = arith.cmpi slt, %jit3A, %sign3A_14 : i32
    %sign3A_16 = arith.extui %sign3A_15 : i1 to i32
    %sign3A_17 = arith.subi %sign3A_13, %sign3A_16 : i32
    %ne3A = arith.cmpi ne, %sign3A_10, %sign3A_17 : i32
    %rem3A = arith.remsi %add3A_4, %jit3A : i32
    %ne3A_18 = arith.constant 0 : i32
    %ne3A_19 = arith.cmpi ne, %rem3A, %ne3A_18 : i32
    %and3A = arith.andi %ne3A, %ne3A_19 : i1
    %sub3A = arith.constant 1 : i32
    %sub3A_20 = arith.subi %div3A, %sub3A : i32
    %select_n3A = arith.select %and3A, %sub3A_20, %div3A : i32
    %jit3A_21 = arith.constant 16 : i32
    %eq3A = arith.constant 0 : i32
    %eq3A_22 = arith.cmpi eq, %jit3A_21, %eq3A : i32
    %jit3A_23 = arith.constant 1 : i32
    %select_n3A_24 = arith.select %eq3A_22, %jit3A_23, %jit3A_21 : i32
    %rem3A_25 = arith.remsi %add3A_4, %select_n3A_24 : i32
    %ne3A_26 = arith.constant 0 : i32
    %ne3A_27 = arith.cmpi ne, %rem3A_25, %ne3A_26 : i32
    %lt3A = arith.constant 0 : i32
    %lt3A_28 = arith.cmpi slt, %rem3A_25, %lt3A : i32
    %lt3A_29 = arith.constant 0 : i32
    %lt3A_30 = arith.cmpi slt, %select_n3A_24, %lt3A_29 : i32
    %ne3A_31 = arith.xori %lt3A_28, %lt3A_30 : i1
    %and3A_32 = arith.andi %ne3A_31, %ne3A_27 : i1
    %add3A_33 = arith.addi %rem3A_25, %select_n3A_24 : i32
    %select_n3A_34 = arith.select %and3A_32, %add3A_33, %rem3A_25 : i32
    %mul3A_35 = arith.constant 1024 : i32
    %mul3A_36 = arith.muli %select_n3A_34, %mul3A_35 : i32
    "tpu.region"() ({
      %run_scoped3A = tpu.sem_alloc : memref<!tpu.dma_semaphore, #tpu.memory_space<semaphore_mem>>
      %dma_start3A_364 = tpu.memref_slice %arg2[%select_n3A, %mul3A_36] : memref<50x16384xi32, #tpu.memory_space<hbm>> -> memref<1x1024xi32, #tpu.memory_space<hbm>>
      %dma_start3A_365 = tpu.memref_squeeze %dma_start3A_364 : memref<1x1024xi32, #tpu.memory_space<hbm>> -> memref<1024xi32, #tpu.memory_space<hbm>>
      %dma_start3A_366 = tpu.memref_slice %arg2[%select_n3A, %mul3A_36] : memref<50x16384xi32, #tpu.memory_space<hbm>> -> memref<1x1024xi32, #tpu.memory_space<hbm>>
      %dma_start3A_367 = tpu.memref_squeeze %dma_start3A_366 : memref<1x1024xi32, #tpu.memory_space<hbm>> -> memref<1024xi32, #tpu.memory_space<hbm>>
      tpu.enqueue_dma source(%dma_start3A_367 : memref<1024xi32, #tpu.memory_space<hbm>>) target(%arg5 : memref<1024xi32, #tpu.memory_space<vmem>>) target_semaphore(%run_scoped3A : memref<!tpu.dma_semaphore, #tpu.memory_space<semaphore_mem>>)
      %dma_wait3A_368 = tpu.memref_slice %arg2[%select_n3A, %mul3A_36] : memref<50x16384xi32, #tpu.memory_space<hbm>> -> memref<1x1024xi32, #tpu.memory_space<hbm>>
      %dma_wait3A_369 = tpu.memref_squeeze %dma_wait3A_368 : memref<1x1024xi32, #tpu.memory_space<hbm>> -> memref<1024xi32, #tpu.memory_space<hbm>>
      %dma_wait3A_370 = tpu.memref_slice %arg2[%select_n3A, %mul3A_36] : memref<50x16384xi32, #tpu.memory_space<hbm>> -> memref<1x1024xi32, #tpu.memory_space<hbm>>
      %dma_wait3A_371 = tpu.memref_squeeze %dma_wait3A_370 : memref<1x1024xi32, #tpu.memory_space<hbm>> -> memref<1024xi32, #tpu.memory_space<hbm>>
      tpu.wait_dma2 semaphore(%run_scoped3A : memref<!tpu.dma_semaphore, #tpu.memory_space<semaphore_mem>>) src(%dma_wait3A_371 : memref<1024xi32, #tpu.memory_space<hbm>>) dst(%arg5 : memref<1024xi32, #tpu.memory_space<vmem>>)
      tpu.yield
    }) : () -> ()
    %dma_start3A = arith.constant 0 : i32
    %dma_start3A_37 = arith.constant 0 : i32
    %dma_start3A_38 = tpu.memref_slice %arg7[%dma_start3A, %dma_start3A_37] : memref<1024x32xf32, #tpu.memory_space<vmem>> -> memref<128x32xf32, #tpu.memory_space<vmem>>
    %dma_start3A_39 = arith.constant 0 : i32
    %dma_start3A_40 = tpu.memref_slice %arg5[%dma_start3A_39] : memref<1024xi32, #tpu.memory_space<vmem>> -> memref<128xi32, #tpu.memory_space<vmem>>
    %dma_start3A_41 = arith.constant 0 : i32
    %dma_start3A_42 = arith.constant 0 : i32
    %dma_start3A_43 = tpu.memref_slice %arg3[%dma_start3A_41, %dma_start3A_42] : memref<1000000x32xf32, #tpu.memory_space<hbm>> -> memref<1000000x32xf32, #tpu.memory_space<hbm>>
    tpu.enqueue_indirect_dma source(%dma_start3A_43 : memref<1000000x32xf32, #tpu.memory_space<hbm>>) target(%dma_start3A_38 : memref<128x32xf32, #tpu.memory_space<vmem>>) offsets(%dma_start3A_40 : memref<128xi32, #tpu.memory_space<vmem>>) semaphore(%arg10 : memref<!tpu.dma_semaphore, #tpu.memory_space<semaphore_mem>>)
    %dma_start3A_44 = arith.constant 128 : i32
    %dma_start3A_45 = arith.constant 0 : i32
    %dma_start3A_46 = tpu.memref_slice %arg7[%dma_start3A_44, %dma_start3A_45] : memref<1024x32xf32, #tpu.memory_space<vmem>> -> memref<128x32xf32, #tpu.memory_space<vmem>>
    %dma_start3A_47 = arith.constant 128 : i32
    %dma_start3A_48 = tpu.memref_slice %arg5[%dma_start3A_47] : memref<1024xi32, #tpu.memory_space<vmem>> -> memref<128xi32, #tpu.memory_space<vmem>>
    %dma_start3A_49 = arith.constant 0 : i32
    %dma_start3A_50 = arith.constant 0 : i32
    %dma_start3A_51 = tpu.memref_slice %arg3[%dma_start3A_49, %dma_start3A_50] : memref<1000000x32xf32, #tpu.memory_space<hbm>> -> memref<1000000x32xf32, #tpu.memory_space<hbm>>
    tpu.enqueue_indirect_dma source(%dma_start3A_51 : memref<1000000x32xf32, #tpu.memory_space<hbm>>) target(%dma_start3A_46 : memref<128x32xf32, #tpu.memory_space<vmem>>) offsets(%dma_start3A_48 : memref<128xi32, #tpu.memory_space<vmem>>) semaphore(%arg10 : memref<!tpu.dma_semaphore, #tpu.memory_space<semaphore_mem>>)
    %dma_start3A_52 = arith.constant 256 : i32
    %dma_start3A_53 = arith.constant 0 : i32
    %dma_start3A_54 = tpu.memref_slice %arg7[%dma_start3A_52, %dma_start3A_53] : memref<1024x32xf32, #tpu.memory_space<vmem>> -> memref<128x32xf32, #tpu.memory_space<vmem>>
    %dma_start3A_55 = arith.constant 256 : i32
    %dma_start3A_56 = tpu.memref_slice %arg5[%dma_start3A_55] : memref<1024xi32, #tpu.memory_space<vmem>> -> memref<128xi32, #tpu.memory_space<vmem>>
    %dma_start3A_57 = arith.constant 0 : i32
    %dma_start3A_58 = arith.constant 0 : i32
    %dma_start3A_59 = tpu.memref_slice %arg3[%dma_start3A_57, %dma_start3A_58] : memref<1000000x32xf32, #tpu.memory_space<hbm>> -> memref<1000000x32xf32, #tpu.memory_space<hbm>>
    tpu.enqueue_indirect_dma source(%dma_start3A_59 : memref<1000000x32xf32, #tpu.memory_space<hbm>>) target(%dma_start3A_54 : memref<128x32xf32, #tpu.memory_space<vmem>>) offsets(%dma_start3A_56 : memref<128xi32, #tpu.memory_space<vmem>>) semaphore(%arg10 : memref<!tpu.dma_semaphore, #tpu.memory_space<semaphore_mem>>)
    %dma_start3A_60 = arith.constant 384 : i32
    %dma_start3A_61 = arith.constant 0 : i32
    %dma_start3A_62 = tpu.memref_slice %arg7[%dma_start3A_60, %dma_start3A_61] : memref<1024x32xf32, #tpu.memory_space<vmem>> -> memref<128x32xf32, #tpu.memory_space<vmem>>
    %dma_start3A_63 = arith.constant 384 : i32
    %dma_start3A_64 = tpu.memref_slice %arg5[%dma_start3A_63] : memref<1024xi32, #tpu.memory_space<vmem>> -> memref<128xi32, #tpu.memory_space<vmem>>
    %dma_start3A_65 = arith.constant 0 : i32
    %dma_start3A_66 = arith.constant 0 : i32
    %dma_start3A_67 = tpu.memref_slice %arg3[%dma_start3A_65, %dma_start3A_66] : memref<1000000x32xf32, #tpu.memory_space<hbm>> -> memref<1000000x32xf32, #tpu.memory_space<hbm>>
    tpu.enqueue_indirect_dma source(%dma_start3A_67 : memref<1000000x32xf32, #tpu.memory_space<hbm>>) target(%dma_start3A_62 : memref<128x32xf32, #tpu.memory_space<vmem>>) offsets(%dma_start3A_64 : memref<128xi32, #tpu.memory_space<vmem>>) semaphore(%arg10 : memref<!tpu.dma_semaphore, #tpu.memory_space<semaphore_mem>>)
    %dma_start3A_68 = arith.constant 512 : i32
    %dma_start3A_69 = arith.constant 0 : i32
    %dma_start3A_70 = tpu.memref_slice %arg7[%dma_start3A_68, %dma_start3A_69] : memref<1024x32xf32, #tpu.memory_space<vmem>> -> memref<128x32xf32, #tpu.memory_space<vmem>>
    %dma_start3A_71 = arith.constant 512 : i32
    %dma_start3A_72 = tpu.memref_slice %arg5[%dma_start3A_71] : memref<1024xi32, #tpu.memory_space<vmem>> -> memref<128xi32, #tpu.memory_space<vmem>>
    %dma_start3A_73 = arith.constant 0 : i32
    %dma_start3A_74 = arith.constant 0 : i32
    %dma_start3A_75 = tpu.memref_slice %arg3[%dma_start3A_73, %dma_start3A_74] : memref<1000000x32xf32, #tpu.memory_space<hbm>> -> memref<1000000x32xf32, #tpu.memory_space<hbm>>
    tpu.enqueue_indirect_dma source(%dma_start3A_75 : memref<1000000x32xf32, #tpu.memory_space<hbm>>) target(%dma_start3A_70 : memref<128x32xf32, #tpu.memory_space<vmem>>) offsets(%dma_start3A_72 : memref<128xi32, #tpu.memory_space<vmem>>) semaphore(%arg10 : memref<!tpu.dma_semaphore, #tpu.memory_space<semaphore_mem>>)
    %dma_start3A_76 = arith.constant 640 : i32
    %dma_start3A_77 = arith.constant 0 : i32
    %dma_start3A_78 = tpu.memref_slice %arg7[%dma_start3A_76, %dma_start3A_77] : memref<1024x32xf32, #tpu.memory_space<vmem>> -> memref<128x32xf32, #tpu.memory_space<vmem>>
    %dma_start3A_79 = arith.constant 640 : i32
    %dma_start3A_80 = tpu.memref_slice %arg5[%dma_start3A_79] : memref<1024xi32, #tpu.memory_space<vmem>> -> memref<128xi32, #tpu.memory_space<vmem>>
    %dma_start3A_81 = arith.constant 0 : i32
    %dma_start3A_82 = arith.constant 0 : i32
    %dma_start3A_83 = tpu.memref_slice %arg3[%dma_start3A_81, %dma_start3A_82] : memref<1000000x32xf32, #tpu.memory_space<hbm>> -> memref<1000000x32xf32, #tpu.memory_space<hbm>>
    tpu.enqueue_indirect_dma source(%dma_start3A_83 : memref<1000000x32xf32, #tpu.memory_space<hbm>>) target(%dma_start3A_78 : memref<128x32xf32, #tpu.memory_space<vmem>>) offsets(%dma_start3A_80 : memref<128xi32, #tpu.memory_space<vmem>>) semaphore(%arg10 : memref<!tpu.dma_semaphore, #tpu.memory_space<semaphore_mem>>)
    %dma_start3A_84 = arith.constant 768 : i32
    %dma_start3A_85 = arith.constant 0 : i32
    %dma_start3A_86 = tpu.memref_slice %arg7[%dma_start3A_84, %dma_start3A_85] : memref<1024x32xf32, #tpu.memory_space<vmem>> -> memref<128x32xf32, #tpu.memory_space<vmem>>
    %dma_start3A_87 = arith.constant 768 : i32
    %dma_start3A_88 = tpu.memref_slice %arg5[%dma_start3A_87] : memref<1024xi32, #tpu.memory_space<vmem>> -> memref<128xi32, #tpu.memory_space<vmem>>
    %dma_start3A_89 = arith.constant 0 : i32
    %dma_start3A_90 = arith.constant 0 : i32
    %dma_start3A_91 = tpu.memref_slice %arg3[%dma_start3A_89, %dma_start3A_90] : memref<1000000x32xf32, #tpu.memory_space<hbm>> -> memref<1000000x32xf32, #tpu.memory_space<hbm>>
    tpu.enqueue_indirect_dma source(%dma_start3A_91 : memref<1000000x32xf32, #tpu.memory_space<hbm>>) target(%dma_start3A_86 : memref<128x32xf32, #tpu.memory_space<vmem>>) offsets(%dma_start3A_88 : memref<128xi32, #tpu.memory_space<vmem>>) semaphore(%arg10 : memref<!tpu.dma_semaphore, #tpu.memory_space<semaphore_mem>>)
    %dma_start3A_92 = arith.constant 896 : i32
    %dma_start3A_93 = arith.constant 0 : i32
    %dma_start3A_94 = tpu.memref_slice %arg7[%dma_start3A_92, %dma_start3A_93] : memref<1024x32xf32, #tpu.memory_space<vmem>> -> memref<128x32xf32, #tpu.memory_space<vmem>>
    %dma_start3A_95 = arith.constant 896 : i32
    %dma_start3A_96 = tpu.memref_slice %arg5[%dma_start3A_95] : memref<1024xi32, #tpu.memory_space<vmem>> -> memref<128xi32, #tpu.memory_space<vmem>>
    %dma_start3A_97 = arith.constant 0 : i32
    %dma_start3A_98 = arith.constant 0 : i32
    %dma_start3A_99 = tpu.memref_slice %arg3[%dma_start3A_97, %dma_start3A_98] : memref<1000000x32xf32, #tpu.memory_space<hbm>> -> memref<1000000x32xf32, #tpu.memory_space<hbm>>
    tpu.enqueue_indirect_dma source(%dma_start3A_99 : memref<1000000x32xf32, #tpu.memory_space<hbm>>) target(%dma_start3A_94 : memref<128x32xf32, #tpu.memory_space<vmem>>) offsets(%dma_start3A_96 : memref<128xi32, #tpu.memory_space<vmem>>) semaphore(%arg10 : memref<!tpu.dma_semaphore, #tpu.memory_space<semaphore_mem>>)
    %scan3A = arith.constant 0 : i32
    %scan3A_100 = arith.constant 0 : i32
    %scan3A_101 = arith.constant 12 : i32
    %scan3A_102 = arith.addi %scan3A_100, %scan3A_101 : i32
    %scan3A_103 = arith.constant 1 : i32
    scf.for %scan3A_364 = %scan3A_100 to %scan3A_102 step %scan3A_103  : i32 {
      %mul3A_365 = arith.constant 2 : i32
      %mul3A_366 = arith.muli %mul3A_365, %scan3A_364 : i32
      %add3A_367 = arith.constant 1 : i32
      %add3A_368 = arith.addi %mul3A_366, %add3A_367 : i32
      %add3A_369 = arith.addi %mul3A_2, %add3A_368 : i32
      %jit3A_370 = arith.constant 16 : i32
      %div3A_371 = arith.divsi %add3A_369, %jit3A_370 : i32
      %sign3A_372 = arith.constant 0 : i32
      %sign3A_373 = arith.cmpi sgt, %add3A_369, %sign3A_372 : i32
      %sign3A_374 = arith.extui %sign3A_373 : i1 to i32
      %sign3A_375 = arith.constant 0 : i32
      %sign3A_376 = arith.cmpi slt, %add3A_369, %sign3A_375 : i32
      %sign3A_377 = arith.extui %sign3A_376 : i1 to i32
      %sign3A_378 = arith.subi %sign3A_374, %sign3A_377 : i32
      %sign3A_379 = arith.constant 0 : i32
      %sign3A_380 = arith.cmpi sgt, %jit3A_370, %sign3A_379 : i32
      %sign3A_381 = arith.extui %sign3A_380 : i1 to i32
      %sign3A_382 = arith.constant 0 : i32
      %sign3A_383 = arith.cmpi slt, %jit3A_370, %sign3A_382 : i32
      %sign3A_384 = arith.extui %sign3A_383 : i1 to i32
      %sign3A_385 = arith.subi %sign3A_381, %sign3A_384 : i32
      %ne3A_386 = arith.cmpi ne, %sign3A_378, %sign3A_385 : i32
      %rem3A_387 = arith.remsi %add3A_369, %jit3A_370 : i32
      %ne3A_388 = arith.constant 0 : i32
      %ne3A_389 = arith.cmpi ne, %rem3A_387, %ne3A_388 : i32
      %and3A_390 = arith.andi %ne3A_386, %ne3A_389 : i1
      %sub3A_391 = arith.constant 1 : i32
      %sub3A_392 = arith.subi %div3A_371, %sub3A_391 : i32
      %select_n3A_393 = arith.select %and3A_390, %sub3A_392, %div3A_371 : i32
      %jit3A_394 = arith.constant 16 : i32
      %eq3A_395 = arith.constant 0 : i32
      %eq3A_396 = arith.cmpi eq, %jit3A_394, %eq3A_395 : i32
      %jit3A_397 = arith.constant 1 : i32
      %select_n3A_398 = arith.select %eq3A_396, %jit3A_397, %jit3A_394 : i32
      %rem3A_399 = arith.remsi %add3A_369, %select_n3A_398 : i32
      %ne3A_400 = arith.constant 0 : i32
      %ne3A_401 = arith.cmpi ne, %rem3A_399, %ne3A_400 : i32
      %lt3A_402 = arith.constant 0 : i32
      %lt3A_403 = arith.cmpi slt, %rem3A_399, %lt3A_402 : i32
      %lt3A_404 = arith.constant 0 : i32
      %lt3A_405 = arith.cmpi slt, %select_n3A_398, %lt3A_404 : i32
      %ne3A_406 = arith.xori %lt3A_403, %lt3A_405 : i1
      %and3A_407 = arith.andi %ne3A_406, %ne3A_401 : i1
      %add3A_408 = arith.addi %rem3A_399, %select_n3A_398 : i32
      %select_n3A_409 = arith.select %and3A_407, %add3A_408, %rem3A_399 : i32
      %mul3A_410 = arith.constant 1024 : i32
      %mul3A_411 = arith.muli %select_n3A_409, %mul3A_410 : i32
      "tpu.region"() ({
        %run_scoped3A = tpu.sem_alloc : memref<!tpu.dma_semaphore, #tpu.memory_space<semaphore_mem>>
        %dma_start3A_786 = tpu.memref_slice %arg2[%select_n3A_393, %mul3A_411] : memref<50x16384xi32, #tpu.memory_space<hbm>> -> memref<1x1024xi32, #tpu.memory_space<hbm>>
        %dma_start3A_787 = tpu.memref_squeeze %dma_start3A_786 : memref<1x1024xi32, #tpu.memory_space<hbm>> -> memref<1024xi32, #tpu.memory_space<hbm>>
        %dma_start3A_788 = tpu.memref_slice %arg2[%select_n3A_393, %mul3A_411] : memref<50x16384xi32, #tpu.memory_space<hbm>> -> memref<1x1024xi32, #tpu.memory_space<hbm>>
        %dma_start3A_789 = tpu.memref_squeeze %dma_start3A_788 : memref<1x1024xi32, #tpu.memory_space<hbm>> -> memref<1024xi32, #tpu.memory_space<hbm>>
        tpu.enqueue_dma source(%dma_start3A_789 : memref<1024xi32, #tpu.memory_space<hbm>>) target(%arg6 : memref<1024xi32, #tpu.memory_space<vmem>>) target_semaphore(%run_scoped3A : memref<!tpu.dma_semaphore, #tpu.memory_space<semaphore_mem>>)
        %dma_wait3A_790 = tpu.memref_slice %arg2[%select_n3A_393, %mul3A_411] : memref<50x16384xi32, #tpu.memory_space<hbm>> -> memref<1x1024xi32, #tpu.memory_space<hbm>>
        %dma_wait3A_791 = tpu.memref_squeeze %dma_wait3A_790 : memref<1x1024xi32, #tpu.memory_space<hbm>> -> memref<1024xi32, #tpu.memory_space<hbm>>
        %dma_wait3A_792 = tpu.memref_slice %arg2[%select_n3A_393, %mul3A_411] : memref<50x16384xi32, #tpu.memory_space<hbm>> -> memref<1x1024xi32, #tpu.memory_space<hbm>>
        %dma_wait3A_793 = tpu.memref_squeeze %dma_wait3A_792 : memref<1x1024xi32, #tpu.memory_space<hbm>> -> memref<1024xi32, #tpu.memory_space<hbm>>
        tpu.wait_dma2 semaphore(%run_scoped3A : memref<!tpu.dma_semaphore, #tpu.memory_space<semaphore_mem>>) src(%dma_wait3A_793 : memref<1024xi32, #tpu.memory_space<hbm>>) dst(%arg6 : memref<1024xi32, #tpu.memory_space<vmem>>)
        tpu.yield
      }) : () -> ()
      %dma_start3A_412 = arith.constant 0 : i32
      %dma_start3A_413 = arith.constant 0 : i32
      %dma_start3A_414 = tpu.memref_slice %arg8[%dma_start3A_412, %dma_start3A_413] : memref<1024x32xf32, #tpu.memory_space<vmem>> -> memref<128x32xf32, #tpu.memory_space<vmem>>
      %dma_start3A_415 = arith.constant 0 : i32
      %dma_start3A_416 = tpu.memref_slice %arg6[%dma_start3A_415] : memref<1024xi32, #tpu.memory_space<vmem>> -> memref<128xi32, #tpu.memory_space<vmem>>
      %dma_start3A_417 = arith.constant 0 : i32
      %dma_start3A_418 = arith.constant 0 : i32
      %dma_start3A_419 = tpu.memref_slice %arg3[%dma_start3A_417, %dma_start3A_418] : memref<1000000x32xf32, #tpu.memory_space<hbm>> -> memref<1000000x32xf32, #tpu.memory_space<hbm>>
      tpu.enqueue_indirect_dma source(%dma_start3A_419 : memref<1000000x32xf32, #tpu.memory_space<hbm>>) target(%dma_start3A_414 : memref<128x32xf32, #tpu.memory_space<vmem>>) offsets(%dma_start3A_416 : memref<128xi32, #tpu.memory_space<vmem>>) semaphore(%arg11 : memref<!tpu.dma_semaphore, #tpu.memory_space<semaphore_mem>>)
      %dma_start3A_420 = arith.constant 128 : i32
      %dma_start3A_421 = arith.constant 0 : i32
      %dma_start3A_422 = tpu.memref_slice %arg8[%dma_start3A_420, %dma_start3A_421] : memref<1024x32xf32, #tpu.memory_space<vmem>> -> memref<128x32xf32, #tpu.memory_space<vmem>>
      %dma_start3A_423 = arith.constant 128 : i32
      %dma_start3A_424 = tpu.memref_slice %arg6[%dma_start3A_423] : memref<1024xi32, #tpu.memory_space<vmem>> -> memref<128xi32, #tpu.memory_space<vmem>>
      %dma_start3A_425 = arith.constant 0 : i32
      %dma_start3A_426 = arith.constant 0 : i32
      %dma_start3A_427 = tpu.memref_slice %arg3[%dma_start3A_425, %dma_start3A_426] : memref<1000000x32xf32, #tpu.memory_space<hbm>> -> memref<1000000x32xf32, #tpu.memory_space<hbm>>
      tpu.enqueue_indirect_dma source(%dma_start3A_427 : memref<1000000x32xf32, #tpu.memory_space<hbm>>) target(%dma_start3A_422 : memref<128x32xf32, #tpu.memory_space<vmem>>) offsets(%dma_start3A_424 : memref<128xi32, #tpu.memory_space<vmem>>) semaphore(%arg11 : memref<!tpu.dma_semaphore, #tpu.memory_space<semaphore_mem>>)
      %dma_start3A_428 = arith.constant 256 : i32
      %dma_start3A_429 = arith.constant 0 : i32
      %dma_start3A_430 = tpu.memref_slice %arg8[%dma_start3A_428, %dma_start3A_429] : memref<1024x32xf32, #tpu.memory_space<vmem>> -> memref<128x32xf32, #tpu.memory_space<vmem>>
      %dma_start3A_431 = arith.constant 256 : i32
      %dma_start3A_432 = tpu.memref_slice %arg6[%dma_start3A_431] : memref<1024xi32, #tpu.memory_space<vmem>> -> memref<128xi32, #tpu.memory_space<vmem>>
      %dma_start3A_433 = arith.constant 0 : i32
      %dma_start3A_434 = arith.constant 0 : i32
      %dma_start3A_435 = tpu.memref_slice %arg3[%dma_start3A_433, %dma_start3A_434] : memref<1000000x32xf32, #tpu.memory_space<hbm>> -> memref<1000000x32xf32, #tpu.memory_space<hbm>>
      tpu.enqueue_indirect_dma source(%dma_start3A_435 : memref<1000000x32xf32, #tpu.memory_space<hbm>>) target(%dma_start3A_430 : memref<128x32xf32, #tpu.memory_space<vmem>>) offsets(%dma_start3A_432 : memref<128xi32, #tpu.memory_space<vmem>>) semaphore(%arg11 : memref<!tpu.dma_semaphore, #tpu.memory_space<semaphore_mem>>)
      %dma_start3A_436 = arith.constant 384 : i32
      %dma_start3A_437 = arith.constant 0 : i32
      %dma_start3A_438 = tpu.memref_slice %arg8[%dma_start3A_436, %dma_start3A_437] : memref<1024x32xf32, #tpu.memory_space<vmem>> -> memref<128x32xf32, #tpu.memory_space<vmem>>
      %dma_start3A_439 = arith.constant 384 : i32
      %dma_start3A_440 = tpu.memref_slice %arg6[%dma_start3A_439] : memref<1024xi32, #tpu.memory_space<vmem>> -> memref<128xi32, #tpu.memory_space<vmem>>
      %dma_start3A_441 = arith.constant 0 : i32
      %dma_start3A_442 = arith.constant 0 : i32
      %dma_start3A_443 = tpu.memref_slice %arg3[%dma_start3A_441, %dma_start3A_442] : memref<1000000x32xf32, #tpu.memory_space<hbm>> -> memref<1000000x32xf32, #tpu.memory_space<hbm>>
      tpu.enqueue_indirect_dma source(%dma_start3A_443 : memref<1000000x32xf32, #tpu.memory_space<hbm>>) target(%dma_start3A_438 : memref<128x32xf32, #tpu.memory_space<vmem>>) offsets(%dma_start3A_440 : memref<128xi32, #tpu.memory_space<vmem>>) semaphore(%arg11 : memref<!tpu.dma_semaphore, #tpu.memory_space<semaphore_mem>>)
      %dma_start3A_444 = arith.constant 512 : i32
      %dma_start3A_445 = arith.constant 0 : i32
      %dma_start3A_446 = tpu.memref_slice %arg8[%dma_start3A_444, %dma_start3A_445] : memref<1024x32xf32, #tpu.memory_space<vmem>> -> memref<128x32xf32, #tpu.memory_space<vmem>>
      %dma_start3A_447 = arith.constant 512 : i32
      %dma_start3A_448 = tpu.memref_slice %arg6[%dma_start3A_447] : memref<1024xi32, #tpu.memory_space<vmem>> -> memref<128xi32, #tpu.memory_space<vmem>>
      %dma_start3A_449 = arith.constant 0 : i32
      %dma_start3A_450 = arith.constant 0 : i32
      %dma_start3A_451 = tpu.memref_slice %arg3[%dma_start3A_449, %dma_start3A_450] : memref<1000000x32xf32, #tpu.memory_space<hbm>> -> memref<1000000x32xf32, #tpu.memory_space<hbm>>
      tpu.enqueue_indirect_dma source(%dma_start3A_451 : memref<1000000x32xf32, #tpu.memory_space<hbm>>) target(%dma_start3A_446 : memref<128x32xf32, #tpu.memory_space<vmem>>) offsets(%dma_start3A_448 : memref<128xi32, #tpu.memory_space<vmem>>) semaphore(%arg11 : memref<!tpu.dma_semaphore, #tpu.memory_space<semaphore_mem>>)
      %dma_start3A_452 = arith.constant 640 : i32
      %dma_start3A_453 = arith.constant 0 : i32
      %dma_start3A_454 = tpu.memref_slice %arg8[%dma_start3A_452, %dma_start3A_453] : memref<1024x32xf32, #tpu.memory_space<vmem>> -> memref<128x32xf32, #tpu.memory_space<vmem>>
      %dma_start3A_455 = arith.constant 640 : i32
      %dma_start3A_456 = tpu.memref_slice %arg6[%dma_start3A_455] : memref<1024xi32, #tpu.memory_space<vmem>> -> memref<128xi32, #tpu.memory_space<vmem>>
      %dma_start3A_457 = arith.constant 0 : i32
      %dma_start3A_458 = arith.constant 0 : i32
      %dma_start3A_459 = tpu.memref_slice %arg3[%dma_start3A_457, %dma_start3A_458] : memref<1000000x32xf32, #tpu.memory_space<hbm>> -> memref<1000000x32xf32, #tpu.memory_space<hbm>>
      tpu.enqueue_indirect_dma source(%dma_start3A_459 : memref<1000000x32xf32, #tpu.memory_space<hbm>>) target(%dma_start3A_454 : memref<128x32xf32, #tpu.memory_space<vmem>>) offsets(%dma_start3A_456 : memref<128xi32, #tpu.memory_space<vmem>>) semaphore(%arg11 : memref<!tpu.dma_semaphore, #tpu.memory_space<semaphore_mem>>)
      %dma_start3A_460 = arith.constant 768 : i32
      %dma_start3A_461 = arith.constant 0 : i32
      %dma_start3A_462 = tpu.memref_slice %arg8[%dma_start3A_460, %dma_start3A_461] : memref<1024x32xf32, #tpu.memory_space<vmem>> -> memref<128x32xf32, #tpu.memory_space<vmem>>
      %dma_start3A_463 = arith.constant 768 : i32
      %dma_start3A_464 = tpu.memref_slice %arg6[%dma_start3A_463] : memref<1024xi32, #tpu.memory_space<vmem>> -> memref<128xi32, #tpu.memory_space<vmem>>
      %dma_start3A_465 = arith.constant 0 : i32
      %dma_start3A_466 = arith.constant 0 : i32
      %dma_start3A_467 = tpu.memref_slice %arg3[%dma_start3A_465, %dma_start3A_466] : memref<1000000x32xf32, #tpu.memory_space<hbm>> -> memref<1000000x32xf32, #tpu.memory_space<hbm>>
      tpu.enqueue_indirect_dma source(%dma_start3A_467 : memref<1000000x32xf32, #tpu.memory_space<hbm>>) target(%dma_start3A_462 : memref<128x32xf32, #tpu.memory_space<vmem>>) offsets(%dma_start3A_464 : memref<128xi32, #tpu.memory_space<vmem>>) semaphore(%arg11 : memref<!tpu.dma_semaphore, #tpu.memory_space<semaphore_mem>>)
      %dma_start3A_468 = arith.constant 896 : i32
      %dma_start3A_469 = arith.constant 0 : i32
      %dma_start3A_470 = tpu.memref_slice %arg8[%dma_start3A_468, %dma_start3A_469] : memref<1024x32xf32, #tpu.memory_space<vmem>> -> memref<128x32xf32, #tpu.memory_space<vmem>>
      %dma_start3A_471 = arith.constant 896 : i32
      %dma_start3A_472 = tpu.memref_slice %arg6[%dma_start3A_471] : memref<1024xi32, #tpu.memory_space<vmem>> -> memref<128xi32, #tpu.memory_space<vmem>>
      %dma_start3A_473 = arith.constant 0 : i32
      %dma_start3A_474 = arith.constant 0 : i32
      %dma_start3A_475 = tpu.memref_slice %arg3[%dma_start3A_473, %dma_start3A_474] : memref<1000000x32xf32, #tpu.memory_space<hbm>> -> memref<1000000x32xf32, #tpu.memory_space<hbm>>
      tpu.enqueue_indirect_dma source(%dma_start3A_475 : memref<1000000x32xf32, #tpu.memory_space<hbm>>) target(%dma_start3A_470 : memref<128x32xf32, #tpu.memory_space<vmem>>) offsets(%dma_start3A_472 : memref<128xi32, #tpu.memory_space<vmem>>) semaphore(%arg11 : memref<!tpu.dma_semaphore, #tpu.memory_space<semaphore_mem>>)
      %dma_wait3A_476 = arith.constant 0 : i32
      %dma_wait3A_477 = arith.constant 0 : i32
      %dma_wait3A_478 = tpu.memref_slice %arg3[%dma_wait3A_476, %dma_wait3A_477] : memref<1000000x32xf32, #tpu.memory_space<hbm>> -> memref<1024x32xf32, #tpu.memory_space<hbm>>
      %dma_wait3A_479 = arith.constant 0 : i32
      %dma_wait3A_480 = arith.constant 0 : i32
      %dma_wait3A_481 = tpu.memref_slice %arg3[%dma_wait3A_479, %dma_wait3A_480] : memref<1000000x32xf32, #tpu.memory_space<hbm>> -> memref<1024x32xf32, #tpu.memory_space<hbm>>
      tpu.wait_dma2 semaphore(%arg10 : memref<!tpu.dma_semaphore, #tpu.memory_space<semaphore_mem>>) src(%dma_wait3A_481 : memref<1024x32xf32, #tpu.memory_space<hbm>>) dst(%arg7 : memref<1024x32xf32, #tpu.memory_space<vmem>>)
      %eq3A_482 = arith.constant 0 : i32
      %eq3A_483 = arith.cmpi eq, %scan3A_364, %eq3A_482 : i32
      %add3A_484 = arith.addi %mul3A_2, %mul3A_366 : i32
      %jit3A_485 = arith.constant 16 : i32
      %div3A_486 = arith.divsi %add3A_484, %jit3A_485 : i32
      %sign3A_487 = arith.constant 0 : i32
      %sign3A_488 = arith.cmpi sgt, %add3A_484, %sign3A_487 : i32
      %sign3A_489 = arith.extui %sign3A_488 : i1 to i32
      %sign3A_490 = arith.constant 0 : i32
      %sign3A_491 = arith.cmpi slt, %add3A_484, %sign3A_490 : i32
      %sign3A_492 = arith.extui %sign3A_491 : i1 to i32
      %sign3A_493 = arith.subi %sign3A_489, %sign3A_492 : i32
      %sign3A_494 = arith.constant 0 : i32
      %sign3A_495 = arith.cmpi sgt, %jit3A_485, %sign3A_494 : i32
      %sign3A_496 = arith.extui %sign3A_495 : i1 to i32
      %sign3A_497 = arith.constant 0 : i32
      %sign3A_498 = arith.cmpi slt, %jit3A_485, %sign3A_497 : i32
      %sign3A_499 = arith.extui %sign3A_498 : i1 to i32
      %sign3A_500 = arith.subi %sign3A_496, %sign3A_499 : i32
      %ne3A_501 = arith.cmpi ne, %sign3A_493, %sign3A_500 : i32
      %rem3A_502 = arith.remsi %add3A_484, %jit3A_485 : i32
      %ne3A_503 = arith.constant 0 : i32
      %ne3A_504 = arith.cmpi ne, %rem3A_502, %ne3A_503 : i32
      %and3A_505 = arith.andi %ne3A_501, %ne3A_504 : i1
      %sub3A_506 = arith.constant 1 : i32
      %sub3A_507 = arith.subi %div3A_486, %sub3A_506 : i32
      %select_n3A_508 = arith.select %and3A_505, %sub3A_507, %div3A_486 : i32
      %jit3A_509 = arith.constant 16 : i32
      %eq3A_510 = arith.constant 0 : i32
      %eq3A_511 = arith.cmpi eq, %jit3A_509, %eq3A_510 : i32
      %jit3A_512 = arith.constant 1 : i32
      %select_n3A_513 = arith.select %eq3A_511, %jit3A_512, %jit3A_509 : i32
      %rem3A_514 = arith.remsi %add3A_484, %select_n3A_513 : i32
      %ne3A_515 = arith.constant 0 : i32
      %ne3A_516 = arith.cmpi ne, %rem3A_514, %ne3A_515 : i32
      %lt3A_517 = arith.constant 0 : i32
      %lt3A_518 = arith.cmpi slt, %rem3A_514, %lt3A_517 : i32
      %lt3A_519 = arith.constant 0 : i32
      %lt3A_520 = arith.cmpi slt, %select_n3A_513, %lt3A_519 : i32
      %ne3A_521 = arith.xori %lt3A_518, %lt3A_520 : i1
      %and3A_522 = arith.andi %ne3A_521, %ne3A_516 : i1
      %add3A_523 = arith.addi %rem3A_514, %select_n3A_513 : i32
      %select_n3A_524 = arith.select %and3A_522, %add3A_523, %rem3A_514 : i32
      %not3A_525 = arith.constant true
      %not3A_526 = arith.xori %eq3A_483, %not3A_525 : i1
      %convert_element_type3A_527 = arith.extui %not3A_526 : i1 to i32
      %cond3A_528 = arith.constant 0 : i32
      %cond3A_529 = arith.cmpi ne, %convert_element_type3A_527, %cond3A_528 : i32
      scf.if %cond3A_529 {
        %dma_wait3A_786 = arith.constant 0 : i32
        %dma_wait3A_787 = arith.constant 0 : i32
        %dma_wait3A_788 = arith.constant 0 : i32
        %dma_wait3A_789 = arith.constant 0 : i32
        %dma_wait3A_790 = arith.constant 0 : i32
        %dma_wait3A_791 = tpu.memref_slice %arg4[%dma_wait3A_786, %dma_wait3A_787, %dma_wait3A_788, %dma_wait3A_789, %dma_wait3A_790] : memref<50x4x128x8x128xf32, #tpu.memory_space<hbm>> -> memref<1x4x8x8x128xf32, #tpu.memory_space<hbm>>
        %dma_wait3A_792 = tpu.memref_squeeze %dma_wait3A_791 : memref<1x4x8x8x128xf32, #tpu.memory_space<hbm>> -> memref<4x8x8x128xf32, #tpu.memory_space<hbm>>
        %dma_wait3A_793 = arith.constant 0 : i32
        %dma_wait3A_794 = arith.constant 0 : i32
        %dma_wait3A_795 = arith.constant 0 : i32
        %dma_wait3A_796 = arith.constant 0 : i32
        %dma_wait3A_797 = tpu.memref_slice %arg4[%dma_wait3A_786, %dma_wait3A_793, %dma_wait3A_794, %dma_wait3A_795, %dma_wait3A_796] : memref<50x4x128x8x128xf32, #tpu.memory_space<hbm>> -> memref<1x4x8x8x128xf32, #tpu.memory_space<hbm>>
        %dma_wait3A_798 = tpu.memref_squeeze %dma_wait3A_797 : memref<1x4x8x8x128xf32, #tpu.memory_space<hbm>> -> memref<4x8x8x128xf32, #tpu.memory_space<hbm>>
        tpu.wait_dma2 semaphore(%arg12 : memref<!tpu.dma_semaphore, #tpu.memory_space<semaphore_mem>>) src(%arg9 : memref<4x8x8x128xf32, #tpu.memory_space<vmem>>) dst(%dma_wait3A_798 : memref<4x8x8x128xf32, #tpu.memory_space<hbm>>)
      } else {
      }
      %iota3A_530 = tpu.iota {dimensions = array<i32: 0>} : vector<16xi32>
      %shift_right_arithmetic3A_531 = arith.constant 3 : i32
      %shift_right_arithmetic3A_532 = vector.broadcast %shift_right_arithmetic3A_531 : i32 to vector<16xi32>
      %shift_right_arithmetic3A_533 = arith.shrsi %iota3A_530, %shift_right_arithmetic3A_532 : vector<16xi32>
      %and3A_534 = arith.constant 7 : i32
      %and3A_535 = vector.broadcast %and3A_534 : i32 to vector<16xi32>
      %and3A_536 = arith.andi %iota3A_530, %and3A_535 : vector<16xi32>
      %parallel_loop3A_537 = arith.constant 0 : i32
      %parallel_loop3A_538 = arith.constant 1024 : i32
      %parallel_loop3A_539 = arith.constant 1 : i32
      scf.for %parallel_loop3A_786 = %parallel_loop3A_537 to %parallel_loop3A_538 step %parallel_loop3A_539  : i32 {
        %parallel_loop3A_787 = arith.constant 7 : i32
        %parallel_loop3A_788 = arith.shrsi %parallel_loop3A_786, %parallel_loop3A_787 : i32
        %parallel_loop3A_789 = vector.broadcast %parallel_loop3A_788 : i32 to vector<16xi32>
        %parallel_loop3A_790 = arith.constant 127 : i32
        %parallel_loop3A_791 = arith.andi %parallel_loop3A_786, %parallel_loop3A_790 : i32
        %parallel_loop3A_792 = vector.broadcast %parallel_loop3A_791 : i32 to vector<16xi32>
        %parallel_loop3A_793 = arith.index_cast %parallel_loop3A_786 : i32 to index
        %parallel_loop3A_794 = arith.constant 0 : index
        %parallel_loop3A_795 = tpu.vector_load %arg7[%parallel_loop3A_793, %parallel_loop3A_794] {strides = array<i32>} : memref<1024x32xf32, #tpu.memory_space<vmem>>, vector<16xf32>,
        %parallel_loop3A_796 = arith.index_cast %parallel_loop3A_786 : i32 to index
        %parallel_loop3A_797 = arith.constant 16 : index
        %parallel_loop3A_798 = tpu.vector_load %arg7[%parallel_loop3A_796, %parallel_loop3A_797] {strides = array<i32>} : memref<1024x32xf32, #tpu.memory_space<vmem>>, vector<16xf32>,
        tpu.vector_store_idx %arg9[%shift_right_arithmetic3A_533, %parallel_loop3A_789, %and3A_536, %parallel_loop3A_792], %parallel_loop3A_795 : memref<4x8x8x128xf32, #tpu.memory_space<vmem>>[vector<16xi32>, vector<16xi32>, vector<16xi32>, vector<16xi32>], vector<16xf32>,
        %parallel_loop3A_799 = arith.constant 2 : i32
        %parallel_loop3A_800 = vector.broadcast %parallel_loop3A_799 : i32 to vector<16xi32>
        %parallel_loop3A_801 = arith.addi %shift_right_arithmetic3A_533, %parallel_loop3A_800 : vector<16xi32>
        tpu.vector_store_idx %arg9[%parallel_loop3A_801, %parallel_loop3A_789, %and3A_536, %parallel_loop3A_792], %parallel_loop3A_798 : memref<4x8x8x128xf32, #tpu.memory_space<vmem>>[vector<16xi32>, vector<16xi32>, vector<16xi32>, vector<16xi32>], vector<16xf32>,
      } {sc.loop_unroll_factor = 4 : i64, sc.parallel_access}
      %mul3A_540 = arith.constant 8 : i32
      %mul3A_541 = arith.muli %select_n3A_524, %mul3A_540 : i32
      %dma_start3A_542 = arith.constant 0 : i32
      %dma_start3A_543 = arith.constant 0 : i32
      %dma_start3A_544 = arith.constant 0 : i32
      %dma_start3A_545 = arith.constant 0 : i32
      %dma_start3A_546 = arith.constant 0 : i32
      %dma_start3A_547 = tpu.memref_slice %arg9[%dma_start3A_542, %dma_start3A_544, %dma_start3A_545, %dma_start3A_546] : memref<4x8x8x128xf32, #tpu.memory_space<vmem>> -> memref<1x8x8x128xf32, #tpu.memory_space<vmem>>
      %dma_start3A_548 = tpu.memref_squeeze %dma_start3A_547 : memref<1x8x8x128xf32, #tpu.memory_space<vmem>> -> memref<8x8x128xf32, #tpu.memory_space<vmem>>
      %dma_start3A_549 = arith.constant 0 : i32
      %dma_start3A_550 = arith.constant 0 : i32
      %dma_start3A_551 = tpu.memref_slice %arg4[%select_n3A_508, %dma_start3A_543, %mul3A_541, %dma_start3A_549, %dma_start3A_550] : memref<50x4x128x8x128xf32, #tpu.memory_space<hbm>> -> memref<1x1x8x8x128xf32, #tpu.memory_space<hbm>>
      %dma_start3A_552 = tpu.memref_squeeze %dma_start3A_551 : memref<1x1x8x8x128xf32, #tpu.memory_space<hbm>> -> memref<8x8x128xf32, #tpu.memory_space<hbm>>
      %dma_start3A_553 = arith.constant 0 : i32
      %dma_start3A_554 = arith.constant 0 : i32
      %dma_start3A_555 = tpu.memref_slice %arg4[%select_n3A_508, %dma_start3A_543, %mul3A_541, %dma_start3A_553, %dma_start3A_554] : memref<50x4x128x8x128xf32, #tpu.memory_space<hbm>> -> memref<1x1x8x8x128xf32, #tpu.memory_space<hbm>>
      %dma_start3A_556 = tpu.memref_squeeze %dma_start3A_555 : memref<1x1x8x8x128xf32, #tpu.memory_space<hbm>> -> memref<8x8x128xf32, #tpu.memory_space<hbm>>
      %dma_start3A_557 = arith.constant 0 : i32
      %dma_start3A_558 = arith.constant 0 : i32
      %dma_start3A_559 = arith.constant 0 : i32
      %dma_start3A_560 = tpu.memref_slice %arg9[%dma_start3A_542, %dma_start3A_557, %dma_start3A_558, %dma_start3A_559] : memref<4x8x8x128xf32, #tpu.memory_space<vmem>> -> memref<1x8x8x128xf32, #tpu.memory_space<vmem>>
      %dma_start3A_561 = tpu.memref_squeeze %dma_start3A_560 : memref<1x8x8x128xf32, #tpu.memory_space<vmem>> -> memref<8x8x128xf32, #tpu.memory_space<vmem>>
      tpu.enqueue_dma source(%dma_start3A_561 : memref<8x8x128xf32, #tpu.memory_space<vmem>>) target(%dma_start3A_556 : memref<8x8x128xf32, #tpu.memory_space<hbm>>) target_semaphore(%arg12 : memref<!tpu.dma_semaphore, #tpu.memory_space<semaphore_mem>>)
      %mul3A_562 = arith.constant 8 : i32
      %mul3A_563 = arith.muli %select_n3A_524, %mul3A_562 : i32
      %dma_start3A_564 = arith.constant 1 : i32
      %dma_start3A_565 = arith.constant 1 : i32
      %dma_start3A_566 = arith.constant 0 : i32
      %dma_start3A_567 = arith.constant 0 : i32
      %dma_start3A_568 = arith.constant 0 : i32
      %dma_start3A_569 = tpu.memref_slice %arg9[%dma_start3A_564, %dma_start3A_566, %dma_start3A_567, %dma_start3A_568] : memref<4x8x8x128xf32, #tpu.memory_space<vmem>> -> memref<1x8x8x128xf32, #tpu.memory_space<vmem>>
      %dma_start3A_570 = tpu.memref_squeeze %dma_start3A_569 : memref<1x8x8x128xf32, #tpu.memory_space<vmem>> -> memref<8x8x128xf32, #tpu.memory_space<vmem>>
      %dma_start3A_571 = arith.constant 0 : i32
      %dma_start3A_572 = arith.constant 0 : i32
      %dma_start3A_573 = tpu.memref_slice %arg4[%select_n3A_508, %dma_start3A_565, %mul3A_563, %dma_start3A_571, %dma_start3A_572] : memref<50x4x128x8x128xf32, #tpu.memory_space<hbm>> -> memref<1x1x8x8x128xf32, #tpu.memory_space<hbm>>
      %dma_start3A_574 = tpu.memref_squeeze %dma_start3A_573 : memref<1x1x8x8x128xf32, #tpu.memory_space<hbm>> -> memref<8x8x128xf32, #tpu.memory_space<hbm>>
      %dma_start3A_575 = arith.constant 0 : i32
      %dma_start3A_576 = arith.constant 0 : i32
      %dma_start3A_577 = tpu.memref_slice %arg4[%select_n3A_508, %dma_start3A_565, %mul3A_563, %dma_start3A_575, %dma_start3A_576] : memref<50x4x128x8x128xf32, #tpu.memory_space<hbm>> -> memref<1x1x8x8x128xf32, #tpu.memory_space<hbm>>
      %dma_start3A_578 = tpu.memref_squeeze %dma_start3A_577 : memref<1x1x8x8x128xf32, #tpu.memory_space<hbm>> -> memref<8x8x128xf32, #tpu.memory_space<hbm>>
      %dma_start3A_579 = arith.constant 0 : i32
      %dma_start3A_580 = arith.constant 0 : i32
      %dma_start3A_581 = arith.constant 0 : i32
      %dma_start3A_582 = tpu.memref_slice %arg9[%dma_start3A_564, %dma_start3A_579, %dma_start3A_580, %dma_start3A_581] : memref<4x8x8x128xf32, #tpu.memory_space<vmem>> -> memref<1x8x8x128xf32, #tpu.memory_space<vmem>>
      %dma_start3A_583 = tpu.memref_squeeze %dma_start3A_582 : memref<1x8x8x128xf32, #tpu.memory_space<vmem>> -> memref<8x8x128xf32, #tpu.memory_space<vmem>>
      tpu.enqueue_dma source(%dma_start3A_583 : memref<8x8x128xf32, #tpu.memory_space<vmem>>) target(%dma_start3A_578 : memref<8x8x128xf32, #tpu.memory_space<hbm>>) target_semaphore(%arg12 : memref<!tpu.dma_semaphore, #tpu.memory_space<semaphore_mem>>)
      %mul3A_584 = arith.constant 8 : i32
      %mul3A_585 = arith.muli %select_n3A_524, %mul3A_584 : i32
      %dma_start3A_586 = arith.constant 2 : i32
      %dma_start3A_587 = arith.constant 2 : i32
      %dma_start3A_588 = arith.constant 0 : i32
      %dma_start3A_589 = arith.constant 0 : i32
      %dma_start3A_590 = arith.constant 0 : i32
      %dma_start3A_591 = tpu.memref_slice %arg9[%dma_start3A_586, %dma_start3A_588, %dma_start3A_589, %dma_start3A_590] : memref<4x8x8x128xf32, #tpu.memory_space<vmem>> -> memref<1x8x8x128xf32, #tpu.memory_space<vmem>>
      %dma_start3A_592 = tpu.memref_squeeze %dma_start3A_591 : memref<1x8x8x128xf32, #tpu.memory_space<vmem>> -> memref<8x8x128xf32, #tpu.memory_space<vmem>>
      %dma_start3A_593 = arith.constant 0 : i32
      %dma_start3A_594 = arith.constant 0 : i32
      %dma_start3A_595 = tpu.memref_slice %arg4[%select_n3A_508, %dma_start3A_587, %mul3A_585, %dma_start3A_593, %dma_start3A_594] : memref<50x4x128x8x128xf32, #tpu.memory_space<hbm>> -> memref<1x1x8x8x128xf32, #tpu.memory_space<hbm>>
      %dma_start3A_596 = tpu.memref_squeeze %dma_start3A_595 : memref<1x1x8x8x128xf32, #tpu.memory_space<hbm>> -> memref<8x8x128xf32, #tpu.memory_space<hbm>>
      %dma_start3A_597 = arith.constant 0 : i32
      %dma_start3A_598 = arith.constant 0 : i32
      %dma_start3A_599 = tpu.memref_slice %arg4[%select_n3A_508, %dma_start3A_587, %mul3A_585, %dma_start3A_597, %dma_start3A_598] : memref<50x4x128x8x128xf32, #tpu.memory_space<hbm>> -> memref<1x1x8x8x128xf32, #tpu.memory_space<hbm>>
      %dma_start3A_600 = tpu.memref_squeeze %dma_start3A_599 : memref<1x1x8x8x128xf32, #tpu.memory_space<hbm>> -> memref<8x8x128xf32, #tpu.memory_space<hbm>>
      %dma_start3A_601 = arith.constant 0 : i32
      %dma_start3A_602 = arith.constant 0 : i32
      %dma_start3A_603 = arith.constant 0 : i32
      %dma_start3A_604 = tpu.memref_slice %arg9[%dma_start3A_586, %dma_start3A_601, %dma_start3A_602, %dma_start3A_603] : memref<4x8x8x128xf32, #tpu.memory_space<vmem>> -> memref<1x8x8x128xf32, #tpu.memory_space<vmem>>
      %dma_start3A_605 = tpu.memref_squeeze %dma_start3A_604 : memref<1x8x8x128xf32, #tpu.memory_space<vmem>> -> memref<8x8x128xf32, #tpu.memory_space<vmem>>
      tpu.enqueue_dma source(%dma_start3A_605 : memref<8x8x128xf32, #tpu.memory_space<vmem>>) target(%dma_start3A_600 : memref<8x8x128xf32, #tpu.memory_space<hbm>>) target_semaphore(%arg12 : memref<!tpu.dma_semaphore, #tpu.memory_space<semaphore_mem>>)
      %mul3A_606 = arith.constant 8 : i32
      %mul3A_607 = arith.muli %select_n3A_524, %mul3A_606 : i32
      %dma_start3A_608 = arith.constant 3 : i32
      %dma_start3A_609 = arith.constant 3 : i32
      %dma_start3A_610 = arith.constant 0 : i32
      %dma_start3A_611 = arith.constant 0 : i32
      %dma_start3A_612 = arith.constant 0 : i32
      %dma_start3A_613 = tpu.memref_slice %arg9[%dma_start3A_608, %dma_start3A_610, %dma_start3A_611, %dma_start3A_612] : memref<4x8x8x128xf32, #tpu.memory_space<vmem>> -> memref<1x8x8x128xf32, #tpu.memory_space<vmem>>
      %dma_start3A_614 = tpu.memref_squeeze %dma_start3A_613 : memref<1x8x8x128xf32, #tpu.memory_space<vmem>> -> memref<8x8x128xf32, #tpu.memory_space<vmem>>
      %dma_start3A_615 = arith.constant 0 : i32
      %dma_start3A_616 = arith.constant 0 : i32
      %dma_start3A_617 = tpu.memref_slice %arg4[%select_n3A_508, %dma_start3A_609, %mul3A_607, %dma_start3A_615, %dma_start3A_616] : memref<50x4x128x8x128xf32, #tpu.memory_space<hbm>> -> memref<1x1x8x8x128xf32, #tpu.memory_space<hbm>>
      %dma_start3A_618 = tpu.memref_squeeze %dma_start3A_617 : memref<1x1x8x8x128xf32, #tpu.memory_space<hbm>> -> memref<8x8x128xf32, #tpu.memory_space<hbm>>
      %dma_start3A_619 = arith.constant 0 : i32
      %dma_start3A_620 = arith.constant 0 : i32
      %dma_start3A_621 = tpu.memref_slice %arg4[%select_n3A_508, %dma_start3A_609, %mul3A_607, %dma_start3A_619, %dma_start3A_620] : memref<50x4x128x8x128xf32, #tpu.memory_space<hbm>> -> memref<1x1x8x8x128xf32, #tpu.memory_space<hbm>>
      %dma_start3A_622 = tpu.memref_squeeze %dma_start3A_621 : memref<1x1x8x8x128xf32, #tpu.memory_space<hbm>> -> memref<8x8x128xf32, #tpu.memory_space<hbm>>
      %dma_start3A_623 = arith.constant 0 : i32
      %dma_start3A_624 = arith.constant 0 : i32
      %dma_start3A_625 = arith.constant 0 : i32
      %dma_start3A_626 = tpu.memref_slice %arg9[%dma_start3A_608, %dma_start3A_623, %dma_start3A_624, %dma_start3A_625] : memref<4x8x8x128xf32, #tpu.memory_space<vmem>> -> memref<1x8x8x128xf32, #tpu.memory_space<vmem>>
      %dma_start3A_627 = tpu.memref_squeeze %dma_start3A_626 : memref<1x8x8x128xf32, #tpu.memory_space<vmem>> -> memref<8x8x128xf32, #tpu.memory_space<vmem>>
      tpu.enqueue_dma source(%dma_start3A_627 : memref<8x8x128xf32, #tpu.memory_space<vmem>>) target(%dma_start3A_622 : memref<8x8x128xf32, #tpu.memory_space<hbm>>) target_semaphore(%arg12 : memref<!tpu.dma_semaphore, #tpu.memory_space<semaphore_mem>>)
      %lt3A_628 = arith.constant 11 : i32
      %lt3A_629 = arith.cmpi slt, %scan3A_364, %lt3A_628 : i32
      %convert_element_type3A_630 = arith.extui %lt3A_629 : i1 to i32
      %cond3A_631 = arith.constant 0 : i32
      %cond3A_632 = arith.cmpi ne, %convert_element_type3A_630, %cond3A_631 : i32
      scf.if %cond3A_632 {
        %add3A_786 = arith.constant 2 : i32
        %add3A_787 = arith.addi %mul3A_366, %add3A_786 : i32
        %add3A_788 = arith.addi %mul3A_2, %add3A_787 : i32
        %jit3A_789 = arith.constant 16 : i32
        %div3A_790 = arith.divsi %add3A_788, %jit3A_789 : i32
        %sign3A_791 = arith.constant 0 : i32
        %sign3A_792 = arith.cmpi sgt, %add3A_788, %sign3A_791 : i32
        %sign3A_793 = arith.extui %sign3A_792 : i1 to i32
        %sign3A_794 = arith.constant 0 : i32
        %sign3A_795 = arith.cmpi slt, %add3A_788, %sign3A_794 : i32
        %sign3A_796 = arith.extui %sign3A_795 : i1 to i32
        %sign3A_797 = arith.subi %sign3A_793, %sign3A_796 : i32
        %sign3A_798 = arith.constant 0 : i32
        %sign3A_799 = arith.cmpi sgt, %jit3A_789, %sign3A_798 : i32
        %sign3A_800 = arith.extui %sign3A_799 : i1 to i32
        %sign3A_801 = arith.constant 0 : i32
        %sign3A_802 = arith.cmpi slt, %jit3A_789, %sign3A_801 : i32
        %sign3A_803 = arith.extui %sign3A_802 : i1 to i32
        %sign3A_804 = arith.subi %sign3A_800, %sign3A_803 : i32
        %ne3A_805 = arith.cmpi ne, %sign3A_797, %sign3A_804 : i32
        %rem3A_806 = arith.remsi %add3A_788, %jit3A_789 : i32
        %ne3A_807 = arith.constant 0 : i32
        %ne3A_808 = arith.cmpi ne, %rem3A_806, %ne3A_807 : i32
        %and3A_809 = arith.andi %ne3A_805, %ne3A_808 : i1
        %sub3A_810 = arith.constant 1 : i32
        %sub3A_811 = arith.subi %div3A_790, %sub3A_810 : i32
        %select_n3A_812 = arith.select %and3A_809, %sub3A_811, %div3A_790 : i32
        %jit3A_813 = arith.constant 16 : i32
        %eq3A_814 = arith.constant 0 : i32
        %eq3A_815 = arith.cmpi eq, %jit3A_813, %eq3A_814 : i32
        %jit3A_816 = arith.constant 1 : i32
        %select_n3A_817 = arith.select %eq3A_815, %jit3A_816, %jit3A_813 : i32
        %rem3A_818 = arith.remsi %add3A_788, %select_n3A_817 : i32
        %ne3A_819 = arith.constant 0 : i32
        %ne3A_820 = arith.cmpi ne, %rem3A_818, %ne3A_819 : i32
        %lt3A_821 = arith.constant 0 : i32
        %lt3A_822 = arith.cmpi slt, %rem3A_818, %lt3A_821 : i32
        %lt3A_823 = arith.constant 0 : i32
        %lt3A_824 = arith.cmpi slt, %select_n3A_817, %lt3A_823 : i32
        %ne3A_825 = arith.xori %lt3A_822, %lt3A_824 : i1
        %and3A_826 = arith.andi %ne3A_825, %ne3A_820 : i1
        %add3A_827 = arith.addi %rem3A_818, %select_n3A_817 : i32
        %select_n3A_828 = arith.select %and3A_826, %add3A_827, %rem3A_818 : i32
        %mul3A_829 = arith.constant 1024 : i32
        %mul3A_830 = arith.muli %select_n3A_828, %mul3A_829 : i32
        "tpu.region"() ({
          %run_scoped3A = tpu.sem_alloc : memref<!tpu.dma_semaphore, #tpu.memory_space<semaphore_mem>>
          %dma_start3A_895 = tpu.memref_slice %arg2[%select_n3A_812, %mul3A_830] : memref<50x16384xi32, #tpu.memory_space<hbm>> -> memref<1x1024xi32, #tpu.memory_space<hbm>>
          %dma_start3A_896 = tpu.memref_squeeze %dma_start3A_895 : memref<1x1024xi32, #tpu.memory_space<hbm>> -> memref<1024xi32, #tpu.memory_space<hbm>>
          %dma_start3A_897 = tpu.memref_slice %arg2[%select_n3A_812, %mul3A_830] : memref<50x16384xi32, #tpu.memory_space<hbm>> -> memref<1x1024xi32, #tpu.memory_space<hbm>>
          %dma_start3A_898 = tpu.memref_squeeze %dma_start3A_897 : memref<1x1024xi32, #tpu.memory_space<hbm>> -> memref<1024xi32, #tpu.memory_space<hbm>>
          tpu.enqueue_dma source(%dma_start3A_898 : memref<1024xi32, #tpu.memory_space<hbm>>) target(%arg5 : memref<1024xi32, #tpu.memory_space<vmem>>) target_semaphore(%run_scoped3A : memref<!tpu.dma_semaphore, #tpu.memory_space<semaphore_mem>>)
          %dma_wait3A_899 = tpu.memref_slice %arg2[%select_n3A_812, %mul3A_830] : memref<50x16384xi32, #tpu.memory_space<hbm>> -> memref<1x1024xi32, #tpu.memory_space<hbm>>
          %dma_wait3A_900 = tpu.memref_squeeze %dma_wait3A_899 : memref<1x1024xi32, #tpu.memory_space<hbm>> -> memref<1024xi32, #tpu.memory_space<hbm>>
          %dma_wait3A_901 = tpu.memref_slice %arg2[%select_n3A_812, %mul3A_830] : memref<50x16384xi32, #tpu.memory_space<hbm>> -> memref<1x1024xi32, #tpu.memory_space<hbm>>
          %dma_wait3A_902 = tpu.memref_squeeze %dma_wait3A_901 : memref<1x1024xi32, #tpu.memory_space<hbm>> -> memref<1024xi32, #tpu.memory_space<hbm>>
          tpu.wait_dma2 semaphore(%run_scoped3A : memref<!tpu.dma_semaphore, #tpu.memory_space<semaphore_mem>>) src(%dma_wait3A_902 : memref<1024xi32, #tpu.memory_space<hbm>>) dst(%arg5 : memref<1024xi32, #tpu.memory_space<vmem>>)
          tpu.yield
        }) : () -> ()
        %dma_start3A_831 = arith.constant 0 : i32
        %dma_start3A_832 = arith.constant 0 : i32
        %dma_start3A_833 = tpu.memref_slice %arg7[%dma_start3A_831, %dma_start3A_832] : memref<1024x32xf32, #tpu.memory_space<vmem>> -> memref<128x32xf32, #tpu.memory_space<vmem>>
        %dma_start3A_834 = arith.constant 0 : i32
        %dma_start3A_835 = tpu.memref_slice %arg5[%dma_start3A_834] : memref<1024xi32, #tpu.memory_space<vmem>> -> memref<128xi32, #tpu.memory_space<vmem>>
        %dma_start3A_836 = arith.constant 0 : i32
        %dma_start3A_837 = arith.constant 0 : i32
        %dma_start3A_838 = tpu.memref_slice %arg3[%dma_start3A_836, %dma_start3A_837] : memref<1000000x32xf32, #tpu.memory_space<hbm>> -> memref<1000000x32xf32, #tpu.memory_space<hbm>>
        tpu.enqueue_indirect_dma source(%dma_start3A_838 : memref<1000000x32xf32, #tpu.memory_space<hbm>>) target(%dma_start3A_833 : memref<128x32xf32, #tpu.memory_space<vmem>>) offsets(%dma_start3A_835 : memref<128xi32, #tpu.memory_space<vmem>>) semaphore(%arg10 : memref<!tpu.dma_semaphore, #tpu.memory_space<semaphore_mem>>)
        %dma_start3A_839 = arith.constant 128 : i32
        %dma_start3A_840 = arith.constant 0 : i32
        %dma_start3A_841 = tpu.memref_slice %arg7[%dma_start3A_839, %dma_start3A_840] : memref<1024x32xf32, #tpu.memory_space<vmem>> -> memref<128x32xf32, #tpu.memory_space<vmem>>
        %dma_start3A_842 = arith.constant 128 : i32
        %dma_start3A_843 = tpu.memref_slice %arg5[%dma_start3A_842] : memref<1024xi32, #tpu.memory_space<vmem>> -> memref<128xi32, #tpu.memory_space<vmem>>
        %dma_start3A_844 = arith.constant 0 : i32
        %dma_start3A_845 = arith.constant 0 : i32
        %dma_start3A_846 = tpu.memref_slice %arg3[%dma_start3A_844, %dma_start3A_845] : memref<1000000x32xf32, #tpu.memory_space<hbm>> -> memref<1000000x32xf32, #tpu.memory_space<hbm>>
        tpu.enqueue_indirect_dma source(%dma_start3A_846 : memref<1000000x32xf32, #tpu.memory_space<hbm>>) target(%dma_start3A_841 : memref<128x32xf32, #tpu.memory_space<vmem>>) offsets(%dma_start3A_843 : memref<128xi32, #tpu.memory_space<vmem>>) semaphore(%arg10 : memref<!tpu.dma_semaphore, #tpu.memory_space<semaphore_mem>>)
        %dma_start3A_847 = arith.constant 256 : i32
        %dma_start3A_848 = arith.constant 0 : i32
        %dma_start3A_849 = tpu.memref_slice %arg7[%dma_start3A_847, %dma_start3A_848] : memref<1024x32xf32, #tpu.memory_space<vmem>> -> memref<128x32xf32, #tpu.memory_space<vmem>>
        %dma_start3A_850 = arith.constant 256 : i32
        %dma_start3A_851 = tpu.memref_slice %arg5[%dma_start3A_850] : memref<1024xi32, #tpu.memory_space<vmem>> -> memref<128xi32, #tpu.memory_space<vmem>>
        %dma_start3A_852 = arith.constant 0 : i32
        %dma_start3A_853 = arith.constant 0 : i32
        %dma_start3A_854 = tpu.memref_slice %arg3[%dma_start3A_852, %dma_start3A_853] : memref<1000000x32xf32, #tpu.memory_space<hbm>> -> memref<1000000x32xf32, #tpu.memory_space<hbm>>
        tpu.enqueue_indirect_dma source(%dma_start3A_854 : memref<1000000x32xf32, #tpu.memory_space<hbm>>) target(%dma_start3A_849 : memref<128x32xf32, #tpu.memory_space<vmem>>) offsets(%dma_start3A_851 : memref<128xi32, #tpu.memory_space<vmem>>) semaphore(%arg10 : memref<!tpu.dma_semaphore, #tpu.memory_space<semaphore_mem>>)
        %dma_start3A_855 = arith.constant 384 : i32
        %dma_start3A_856 = arith.constant 0 : i32
        %dma_start3A_857 = tpu.memref_slice %arg7[%dma_start3A_855, %dma_start3A_856] : memref<1024x32xf32, #tpu.memory_space<vmem>> -> memref<128x32xf32, #tpu.memory_space<vmem>>
        %dma_start3A_858 = arith.constant 384 : i32
        %dma_start3A_859 = tpu.memref_slice %arg5[%dma_start3A_858] : memref<1024xi32, #tpu.memory_space<vmem>> -> memref<128xi32, #tpu.memory_space<vmem>>
        %dma_start3A_860 = arith.constant 0 : i32
        %dma_start3A_861 = arith.constant 0 : i32
        %dma_start3A_862 = tpu.memref_slice %arg3[%dma_start3A_860, %dma_start3A_861] : memref<1000000x32xf32, #tpu.memory_space<hbm>> -> memref<1000000x32xf32, #tpu.memory_space<hbm>>
        tpu.enqueue_indirect_dma source(%dma_start3A_862 : memref<1000000x32xf32, #tpu.memory_space<hbm>>) target(%dma_start3A_857 : memref<128x32xf32, #tpu.memory_space<vmem>>) offsets(%dma_start3A_859 : memref<128xi32, #tpu.memory_space<vmem>>) semaphore(%arg10 : memref<!tpu.dma_semaphore, #tpu.memory_space<semaphore_mem>>)
        %dma_start3A_863 = arith.constant 512 : i32
        %dma_start3A_864 = arith.constant 0 : i32
        %dma_start3A_865 = tpu.memref_slice %arg7[%dma_start3A_863, %dma_start3A_864] : memref<1024x32xf32, #tpu.memory_space<vmem>> -> memref<128x32xf32, #tpu.memory_space<vmem>>
        %dma_start3A_866 = arith.constant 512 : i32
        %dma_start3A_867 = tpu.memref_slice %arg5[%dma_start3A_866] : memref<1024xi32, #tpu.memory_space<vmem>> -> memref<128xi32, #tpu.memory_space<vmem>>
        %dma_start3A_868 = arith.constant 0 : i32
        %dma_start3A_869 = arith.constant 0 : i32
        %dma_start3A_870 = tpu.memref_slice %arg3[%dma_start3A_868, %dma_start3A_869] : memref<1000000x32xf32, #tpu.memory_space<hbm>> -> memref<1000000x32xf32, #tpu.memory_space<hbm>>
        tpu.enqueue_indirect_dma source(%dma_start3A_870 : memref<1000000x32xf32, #tpu.memory_space<hbm>>) target(%dma_start3A_865 : memref<128x32xf32, #tpu.memory_space<vmem>>) offsets(%dma_start3A_867 : memref<128xi32, #tpu.memory_space<vmem>>) semaphore(%arg10 : memref<!tpu.dma_semaphore, #tpu.memory_space<semaphore_mem>>)
        %dma_start3A_871 = arith.constant 640 : i32
        %dma_start3A_872 = arith.constant 0 : i32
        %dma_start3A_873 = tpu.memref_slice %arg7[%dma_start3A_871, %dma_start3A_872] : memref<1024x32xf32, #tpu.memory_space<vmem>> -> memref<128x32xf32, #tpu.memory_space<vmem>>
        %dma_start3A_874 = arith.constant 640 : i32
        %dma_start3A_875 = tpu.memref_slice %arg5[%dma_start3A_874] : memref<1024xi32, #tpu.memory_space<vmem>> -> memref<128xi32, #tpu.memory_space<vmem>>
        %dma_start3A_876 = arith.constant 0 : i32
        %dma_start3A_877 = arith.constant 0 : i32
        %dma_start3A_878 = tpu.memref_slice %arg3[%dma_start3A_876, %dma_start3A_877] : memref<1000000x32xf32, #tpu.memory_space<hbm>> -> memref<1000000x32xf32, #tpu.memory_space<hbm>>
        tpu.enqueue_indirect_dma source(%dma_start3A_878 : memref<1000000x32xf32, #tpu.memory_space<hbm>>) target(%dma_start3A_873 : memref<128x32xf32, #tpu.memory_space<vmem>>) offsets(%dma_start3A_875 : memref<128xi32, #tpu.memory_space<vmem>>) semaphore(%arg10 : memref<!tpu.dma_semaphore, #tpu.memory_space<semaphore_mem>>)
        %dma_start3A_879 = arith.constant 768 : i32
        %dma_start3A_880 = arith.constant 0 : i32
        %dma_start3A_881 = tpu.memref_slice %arg7[%dma_start3A_879, %dma_start3A_880] : memref<1024x32xf32, #tpu.memory_space<vmem>> -> memref<128x32xf32, #tpu.memory_space<vmem>>
        %dma_start3A_882 = arith.constant 768 : i32
        %dma_start3A_883 = tpu.memref_slice %arg5[%dma_start3A_882] : memref<1024xi32, #tpu.memory_space<vmem>> -> memref<128xi32, #tpu.memory_space<vmem>>
        %dma_start3A_884 = arith.constant 0 : i32
        %dma_start3A_885 = arith.constant 0 : i32
        %dma_start3A_886 = tpu.memref_slice %arg3[%dma_start3A_884, %dma_start3A_885] : memref<1000000x32xf32, #tpu.memory_space<hbm>> -> memref<1000000x32xf32, #tpu.memory_space<hbm>>
        tpu.enqueue_indirect_dma source(%dma_start3A_886 : memref<1000000x32xf32, #tpu.memory_space<hbm>>) target(%dma_start3A_881 : memref<128x32xf32, #tpu.memory_space<vmem>>) offsets(%dma_start3A_883 : memref<128xi32, #tpu.memory_space<vmem>>) semaphore(%arg10 : memref<!tpu.dma_semaphore, #tpu.memory_space<semaphore_mem>>)
        %dma_start3A_887 = arith.constant 896 : i32
        %dma_start3A_888 = arith.constant 0 : i32
        %dma_start3A_889 = tpu.memref_slice %arg7[%dma_start3A_887, %dma_start3A_888] : memref<1024x32xf32, #tpu.memory_space<vmem>> -> memref<128x32xf32, #tpu.memory_space<vmem>>
        %dma_start3A_890 = arith.constant 896 : i32
        %dma_start3A_891 = tpu.memref_slice %arg5[%dma_start3A_890] : memref<1024xi32, #tpu.memory_space<vmem>> -> memref<128xi32, #tpu.memory_space<vmem>>
        %dma_start3A_892 = arith.constant 0 : i32
        %dma_start3A_893 = arith.constant 0 : i32
        %dma_start3A_894 = tpu.memref_slice %arg3[%dma_start3A_892, %dma_start3A_893] : memref<1000000x32xf32, #tpu.memory_space<hbm>> -> memref<1000000x32xf32, #tpu.memory_space<hbm>>
        tpu.enqueue_indirect_dma source(%dma_start3A_894 : memref<1000000x32xf32, #tpu.memory_space<hbm>>) target(%dma_start3A_889 : memref<128x32xf32, #tpu.memory_space<vmem>>) offsets(%dma_start3A_891 : memref<128xi32, #tpu.memory_space<vmem>>) semaphore(%arg10 : memref<!tpu.dma_semaphore, #tpu.memory_space<semaphore_mem>>)
      } else {
      }
      %dma_wait3A_633 = arith.constant 0 : i32
      %dma_wait3A_634 = arith.constant 0 : i32
      %dma_wait3A_635 = tpu.memref_slice %arg3[%dma_wait3A_633, %dma_wait3A_634] : memref<1000000x32xf32, #tpu.memory_space<hbm>> -> memref<1024x32xf32, #tpu.memory_space<hbm>>
      %dma_wait3A_636 = arith.constant 0 : i32
      %dma_wait3A_637 = arith.constant 0 : i32
      %dma_wait3A_638 = tpu.memref_slice %arg3[%dma_wait3A_636, %dma_wait3A_637] : memref<1000000x32xf32, #tpu.memory_space<hbm>> -> memref<1024x32xf32, #tpu.memory_space<hbm>>
      tpu.wait_dma2 semaphore(%arg11 : memref<!tpu.dma_semaphore, #tpu.memory_space<semaphore_mem>>) src(%dma_wait3A_638 : memref<1024x32xf32, #tpu.memory_space<hbm>>) dst(%arg8 : memref<1024x32xf32, #tpu.memory_space<vmem>>)
      %add3A_639 = arith.constant 1 : i32
      %add3A_640 = arith.addi %mul3A_366, %add3A_639 : i32
      %add3A_641 = arith.addi %mul3A_2, %add3A_640 : i32
      %jit3A_642 = arith.constant 16 : i32
      %div3A_643 = arith.divsi %add3A_641, %jit3A_642 : i32
      %sign3A_644 = arith.constant 0 : i32
      %sign3A_645 = arith.cmpi sgt, %add3A_641, %sign3A_644 : i32
      %sign3A_646 = arith.extui %sign3A_645 : i1 to i32
      %sign3A_647 = arith.constant 0 : i32
      %sign3A_648 = arith.cmpi slt, %add3A_641, %sign3A_647 : i32
      %sign3A_649 = arith.extui %sign3A_648 : i1 to i32
      %sign3A_650 = arith.subi %sign3A_646, %sign3A_649 : i32
      %sign3A_651 = arith.constant 0 : i32
      %sign3A_652 = arith.cmpi sgt, %jit3A_642, %sign3A_651 : i32
      %sign3A_653 = arith.extui %sign3A_652 : i1 to i32
      %sign3A_654 = arith.constant 0 : i32
      %sign3A_655 = arith.cmpi slt, %jit3A_642, %sign3A_654 : i32
      %sign3A_656 = arith.extui %sign3A_655 : i1 to i32
      %sign3A_657 = arith.subi %sign3A_653, %sign3A_656 : i32
      %ne3A_658 = arith.cmpi ne, %sign3A_650, %sign3A_657 : i32
      %rem3A_659 = arith.remsi %add3A_641, %jit3A_642 : i32
      %ne3A_660 = arith.constant 0 : i32
      %ne3A_661 = arith.cmpi ne, %rem3A_659, %ne3A_660 : i32
      %and3A_662 = arith.andi %ne3A_658, %ne3A_661 : i1
      %sub3A_663 = arith.constant 1 : i32
      %sub3A_664 = arith.subi %div3A_643, %sub3A_663 : i32
      %select_n3A_665 = arith.select %and3A_662, %sub3A_664, %div3A_643 : i32
      %jit3A_666 = arith.constant 16 : i32
      %eq3A_667 = arith.constant 0 : i32
      %eq3A_668 = arith.cmpi eq, %jit3A_666, %eq3A_667 : i32
      %jit3A_669 = arith.constant 1 : i32
      %select_n3A_670 = arith.select %eq3A_668, %jit3A_669, %jit3A_666 : i32
      %rem3A_671 = arith.remsi %add3A_641, %select_n3A_670 : i32
      %ne3A_672 = arith.constant 0 : i32
      %ne3A_673 = arith.cmpi ne, %rem3A_671, %ne3A_672 : i32
      %lt3A_674 = arith.constant 0 : i32
      %lt3A_675 = arith.cmpi slt, %rem3A_671, %lt3A_674 : i32
      %lt3A_676 = arith.constant 0 : i32
      %lt3A_677 = arith.cmpi slt, %select_n3A_670, %lt3A_676 : i32
      %ne3A_678 = arith.xori %lt3A_675, %lt3A_677 : i1
      %and3A_679 = arith.andi %ne3A_678, %ne3A_673 : i1
      %add3A_680 = arith.addi %rem3A_671, %select_n3A_670 : i32
      %select_n3A_681 = arith.select %and3A_679, %add3A_680, %rem3A_671 : i32
      %not3A_682 = arith.constant false
      %not3A_683 = arith.constant true
      %not3A_684 = arith.xori %not3A_682, %not3A_683 : i1
      %convert_element_type3A_685 = arith.extui %not3A_684 : i1 to i32
      %cond3A_686 = arith.constant 0 : i32
      %cond3A_687 = arith.cmpi ne, %convert_element_type3A_685, %cond3A_686 : i32
      scf.if %cond3A_687 {
        %dma_wait3A_786 = arith.constant 0 : i32
        %dma_wait3A_787 = arith.constant 0 : i32
        %dma_wait3A_788 = arith.constant 0 : i32
        %dma_wait3A_789 = arith.constant 0 : i32
        %dma_wait3A_790 = arith.constant 0 : i32
        %dma_wait3A_791 = tpu.memref_slice %arg4[%dma_wait3A_786, %dma_wait3A_787, %dma_wait3A_788, %dma_wait3A_789, %dma_wait3A_790] : memref<50x4x128x8x128xf32, #tpu.memory_space<hbm>> -> memref<1x4x8x8x128xf32, #tpu.memory_space<hbm>>
        %dma_wait3A_792 = tpu.memref_squeeze %dma_wait3A_791 : memref<1x4x8x8x128xf32, #tpu.memory_space<hbm>> -> memref<4x8x8x128xf32, #tpu.memory_space<hbm>>
        %dma_wait3A_793 = arith.constant 0 : i32
        %dma_wait3A_794 = arith.constant 0 : i32
        %dma_wait3A_795 = arith.constant 0 : i32
        %dma_wait3A_796 = arith.constant 0 : i32
        %dma_wait3A_797 = tpu.memref_slice %arg4[%dma_wait3A_786, %dma_wait3A_793, %dma_wait3A_794, %dma_wait3A_795, %dma_wait3A_796] : memref<50x4x128x8x128xf32, #tpu.memory_space<hbm>> -> memref<1x4x8x8x128xf32, #tpu.memory_space<hbm>>
        %dma_wait3A_798 = tpu.memref_squeeze %dma_wait3A_797 : memref<1x4x8x8x128xf32, #tpu.memory_space<hbm>> -> memref<4x8x8x128xf32, #tpu.memory_space<hbm>>
        tpu.wait_dma2 semaphore(%arg12 : memref<!tpu.dma_semaphore, #tpu.memory_space<semaphore_mem>>) src(%arg9 : memref<4x8x8x128xf32, #tpu.memory_space<vmem>>) dst(%dma_wait3A_798 : memref<4x8x8x128xf32, #tpu.memory_space<hbm>>)
      } else {
      }
      %iota3A_688 = tpu.iota {dimensions = array<i32: 0>} : vector<16xi32>
      %shift_right_arithmetic3A_689 = arith.constant 3 : i32
      %shift_right_arithmetic3A_690 = vector.broadcast %shift_right_arithmetic3A_689 : i32 to vector<16xi32>
      %shift_right_arithmetic3A_691 = arith.shrsi %iota3A_688, %shift_right_arithmetic3A_690 : vector<16xi32>
      %and3A_692 = arith.constant 7 : i32
      %and3A_693 = vector.broadcast %and3A_692 : i32 to vector<16xi32>
      %and3A_694 = arith.andi %iota3A_688, %and3A_693 : vector<16xi32>
      %parallel_loop3A_695 = arith.constant 0 : i32
      %parallel_loop3A_696 = arith.constant 1024 : i32
      %parallel_loop3A_697 = arith.constant 1 : i32
      scf.for %parallel_loop3A_786 = %parallel_loop3A_695 to %parallel_loop3A_696 step %parallel_loop3A_697  : i32 {
        %parallel_loop3A_787 = arith.constant 7 : i32
        %parallel_loop3A_788 = arith.shrsi %parallel_loop3A_786, %parallel_loop3A_787 : i32
        %parallel_loop3A_789 = vector.broadcast %parallel_loop3A_788 : i32 to vector<16xi32>
        %parallel_loop3A_790 = arith.constant 127 : i32
        %parallel_loop3A_791 = arith.andi %parallel_loop3A_786, %parallel_loop3A_790 : i32
        %parallel_loop3A_792 = vector.broadcast %parallel_loop3A_791 : i32 to vector<16xi32>
        %parallel_loop3A_793 = arith.index_cast %parallel_loop3A_786 : i32 to index
        %parallel_loop3A_794 = arith.constant 0 : index
        %parallel_loop3A_795 = tpu.vector_load %arg8[%parallel_loop3A_793, %parallel_loop3A_794] {strides = array<i32>} : memref<1024x32xf32, #tpu.memory_space<vmem>>, vector<16xf32>,
        %parallel_loop3A_796 = arith.index_cast %parallel_loop3A_786 : i32 to index
        %parallel_loop3A_797 = arith.constant 16 : index
        %parallel_loop3A_798 = tpu.vector_load %arg8[%parallel_loop3A_796, %parallel_loop3A_797] {strides = array<i32>} : memref<1024x32xf32, #tpu.memory_space<vmem>>, vector<16xf32>,
        tpu.vector_store_idx %arg9[%shift_right_arithmetic3A_691, %parallel_loop3A_789, %and3A_694, %parallel_loop3A_792], %parallel_loop3A_795 : memref<4x8x8x128xf32, #tpu.memory_space<vmem>>[vector<16xi32>, vector<16xi32>, vector<16xi32>, vector<16xi32>], vector<16xf32>,
        %parallel_loop3A_799 = arith.constant 2 : i32
        %parallel_loop3A_800 = vector.broadcast %parallel_loop3A_799 : i32 to vector<16xi32>
        %parallel_loop3A_801 = arith.addi %shift_right_arithmetic3A_691, %parallel_loop3A_800 : vector<16xi32>
        tpu.vector_store_idx %arg9[%parallel_loop3A_801, %parallel_loop3A_789, %and3A_694, %parallel_loop3A_792], %parallel_loop3A_798 : memref<4x8x8x128xf32, #tpu.memory_space<vmem>>[vector<16xi32>, vector<16xi32>, vector<16xi32>, vector<16xi32>], vector<16xf32>,
      } {sc.loop_unroll_factor = 4 : i64, sc.parallel_access}
      %mul3A_698 = arith.constant 8 : i32
      %mul3A_699 = arith.muli %select_n3A_681, %mul3A_698 : i32
      %dma_start3A_700 = arith.constant 0 : i32
      %dma_start3A_701 = arith.constant 0 : i32
      %dma_start3A_702 = arith.constant 0 : i32
      %dma_start3A_703 = arith.constant 0 : i32
      %dma_start3A_704 = arith.constant 0 : i32
      %dma_start3A_705 = tpu.memref_slice %arg9[%dma_start3A_700, %dma_start3A_702, %dma_start3A_703, %dma_start3A_704] : memref<4x8x8x128xf32, #tpu.memory_space<vmem>> -> memref<1x8x8x128xf32, #tpu.memory_space<vmem>>
      %dma_start3A_706 = tpu.memref_squeeze %dma_start3A_705 : memref<1x8x8x128xf32, #tpu.memory_space<vmem>> -> memref<8x8x128xf32, #tpu.memory_space<vmem>>
      %dma_start3A_707 = arith.constant 0 : i32
      %dma_start3A_708 = arith.constant 0 : i32
      %dma_start3A_709 = tpu.memref_slice %arg4[%select_n3A_665, %dma_start3A_701, %mul3A_699, %dma_start3A_707, %dma_start3A_708] : memref<50x4x128x8x128xf32, #tpu.memory_space<hbm>> -> memref<1x1x8x8x128xf32, #tpu.memory_space<hbm>>
      %dma_start3A_710 = tpu.memref_squeeze %dma_start3A_709 : memref<1x1x8x8x128xf32, #tpu.memory_space<hbm>> -> memref<8x8x128xf32, #tpu.memory_space<hbm>>
      %dma_start3A_711 = arith.constant 0 : i32
      %dma_start3A_712 = arith.constant 0 : i32
      %dma_start3A_713 = tpu.memref_slice %arg4[%select_n3A_665, %dma_start3A_701, %mul3A_699, %dma_start3A_711, %dma_start3A_712] : memref<50x4x128x8x128xf32, #tpu.memory_space<hbm>> -> memref<1x1x8x8x128xf32, #tpu.memory_space<hbm>>
      %dma_start3A_714 = tpu.memref_squeeze %dma_start3A_713 : memref<1x1x8x8x128xf32, #tpu.memory_space<hbm>> -> memref<8x8x128xf32, #tpu.memory_space<hbm>>
      %dma_start3A_715 = arith.constant 0 : i32
      %dma_start3A_716 = arith.constant 0 : i32
      %dma_start3A_717 = arith.constant 0 : i32
      %dma_start3A_718 = tpu.memref_slice %arg9[%dma_start3A_700, %dma_start3A_715, %dma_start3A_716, %dma_start3A_717] : memref<4x8x8x128xf32, #tpu.memory_space<vmem>> -> memref<1x8x8x128xf32, #tpu.memory_space<vmem>>
      %dma_start3A_719 = tpu.memref_squeeze %dma_start3A_718 : memref<1x8x8x128xf32, #tpu.memory_space<vmem>> -> memref<8x8x128xf32, #tpu.memory_space<vmem>>
      tpu.enqueue_dma source(%dma_start3A_719 : memref<8x8x128xf32, #tpu.memory_space<vmem>>) target(%dma_start3A_714 : memref<8x8x128xf32, #tpu.memory_space<hbm>>) target_semaphore(%arg12 : memref<!tpu.dma_semaphore, #tpu.memory_space<semaphore_mem>>)
      %mul3A_720 = arith.constant 8 : i32
      %mul3A_721 = arith.muli %select_n3A_681, %mul3A_720 : i32
      %dma_start3A_722 = arith.constant 1 : i32
      %dma_start3A_723 = arith.constant 1 : i32
      %dma_start3A_724 = arith.constant 0 : i32
      %dma_start3A_725 = arith.constant 0 : i32
      %dma_start3A_726 = arith.constant 0 : i32
      %dma_start3A_727 = tpu.memref_slice %arg9[%dma_start3A_722, %dma_start3A_724, %dma_start3A_725, %dma_start3A_726] : memref<4x8x8x128xf32, #tpu.memory_space<vmem>> -> memref<1x8x8x128xf32, #tpu.memory_space<vmem>>
      %dma_start3A_728 = tpu.memref_squeeze %dma_start3A_727 : memref<1x8x8x128xf32, #tpu.memory_space<vmem>> -> memref<8x8x128xf32, #tpu.memory_space<vmem>>
      %dma_start3A_729 = arith.constant 0 : i32
      %dma_start3A_730 = arith.constant 0 : i32
      %dma_start3A_731 = tpu.memref_slice %arg4[%select_n3A_665, %dma_start3A_723, %mul3A_721, %dma_start3A_729, %dma_start3A_730] : memref<50x4x128x8x128xf32, #tpu.memory_space<hbm>> -> memref<1x1x8x8x128xf32, #tpu.memory_space<hbm>>
      %dma_start3A_732 = tpu.memref_squeeze %dma_start3A_731 : memref<1x1x8x8x128xf32, #tpu.memory_space<hbm>> -> memref<8x8x128xf32, #tpu.memory_space<hbm>>
      %dma_start3A_733 = arith.constant 0 : i32
      %dma_start3A_734 = arith.constant 0 : i32
      %dma_start3A_735 = tpu.memref_slice %arg4[%select_n3A_665, %dma_start3A_723, %mul3A_721, %dma_start3A_733, %dma_start3A_734] : memref<50x4x128x8x128xf32, #tpu.memory_space<hbm>> -> memref<1x1x8x8x128xf32, #tpu.memory_space<hbm>>
      %dma_start3A_736 = tpu.memref_squeeze %dma_start3A_735 : memref<1x1x8x8x128xf32, #tpu.memory_space<hbm>> -> memref<8x8x128xf32, #tpu.memory_space<hbm>>
      %dma_start3A_737 = arith.constant 0 : i32
      %dma_start3A_738 = arith.constant 0 : i32
      %dma_start3A_739 = arith.constant 0 : i32
      %dma_start3A_740 = tpu.memref_slice %arg9[%dma_start3A_722, %dma_start3A_737, %dma_start3A_738, %dma_start3A_739] : memref<4x8x8x128xf32, #tpu.memory_space<vmem>> -> memref<1x8x8x128xf32, #tpu.memory_space<vmem>>
      %dma_start3A_741 = tpu.memref_squeeze %dma_start3A_740 : memref<1x8x8x128xf32, #tpu.memory_space<vmem>> -> memref<8x8x128xf32, #tpu.memory_space<vmem>>
      tpu.enqueue_dma source(%dma_start3A_741 : memref<8x8x128xf32, #tpu.memory_space<vmem>>) target(%dma_start3A_736 : memref<8x8x128xf32, #tpu.memory_space<hbm>>) target_semaphore(%arg12 : memref<!tpu.dma_semaphore, #tpu.memory_space<semaphore_mem>>)
      %mul3A_742 = arith.constant 8 : i32
      %mul3A_743 = arith.muli %select_n3A_681, %mul3A_742 : i32
      %dma_start3A_744 = arith.constant 2 : i32
      %dma_start3A_745 = arith.constant 2 : i32
      %dma_start3A_746 = arith.constant 0 : i32
      %dma_start3A_747 = arith.constant 0 : i32
      %dma_start3A_748 = arith.constant 0 : i32
      %dma_start3A_749 = tpu.memref_slice %arg9[%dma_start3A_744, %dma_start3A_746, %dma_start3A_747, %dma_start3A_748] : memref<4x8x8x128xf32, #tpu.memory_space<vmem>> -> memref<1x8x8x128xf32, #tpu.memory_space<vmem>>
      %dma_start3A_750 = tpu.memref_squeeze %dma_start3A_749 : memref<1x8x8x128xf32, #tpu.memory_space<vmem>> -> memref<8x8x128xf32, #tpu.memory_space<vmem>>
      %dma_start3A_751 = arith.constant 0 : i32
      %dma_start3A_752 = arith.constant 0 : i32
      %dma_start3A_753 = tpu.memref_slice %arg4[%select_n3A_665, %dma_start3A_745, %mul3A_743, %dma_start3A_751, %dma_start3A_752] : memref<50x4x128x8x128xf32, #tpu.memory_space<hbm>> -> memref<1x1x8x8x128xf32, #tpu.memory_space<hbm>>
      %dma_start3A_754 = tpu.memref_squeeze %dma_start3A_753 : memref<1x1x8x8x128xf32, #tpu.memory_space<hbm>> -> memref<8x8x128xf32, #tpu.memory_space<hbm>>
      %dma_start3A_755 = arith.constant 0 : i32
      %dma_start3A_756 = arith.constant 0 : i32
      %dma_start3A_757 = tpu.memref_slice %arg4[%select_n3A_665, %dma_start3A_745, %mul3A_743, %dma_start3A_755, %dma_start3A_756] : memref<50x4x128x8x128xf32, #tpu.memory_space<hbm>> -> memref<1x1x8x8x128xf32, #tpu.memory_space<hbm>>
      %dma_start3A_758 = tpu.memref_squeeze %dma_start3A_757 : memref<1x1x8x8x128xf32, #tpu.memory_space<hbm>> -> memref<8x8x128xf32, #tpu.memory_space<hbm>>
      %dma_start3A_759 = arith.constant 0 : i32
      %dma_start3A_760 = arith.constant 0 : i32
      %dma_start3A_761 = arith.constant 0 : i32
      %dma_start3A_762 = tpu.memref_slice %arg9[%dma_start3A_744, %dma_start3A_759, %dma_start3A_760, %dma_start3A_761] : memref<4x8x8x128xf32, #tpu.memory_space<vmem>> -> memref<1x8x8x128xf32, #tpu.memory_space<vmem>>
      %dma_start3A_763 = tpu.memref_squeeze %dma_start3A_762 : memref<1x8x8x128xf32, #tpu.memory_space<vmem>> -> memref<8x8x128xf32, #tpu.memory_space<vmem>>
      tpu.enqueue_dma source(%dma_start3A_763 : memref<8x8x128xf32, #tpu.memory_space<vmem>>) target(%dma_start3A_758 : memref<8x8x128xf32, #tpu.memory_space<hbm>>) target_semaphore(%arg12 : memref<!tpu.dma_semaphore, #tpu.memory_space<semaphore_mem>>)
      %mul3A_764 = arith.constant 8 : i32
      %mul3A_765 = arith.muli %select_n3A_681, %mul3A_764 : i32
      %dma_start3A_766 = arith.constant 3 : i32
      %dma_start3A_767 = arith.constant 3 : i32
      %dma_start3A_768 = arith.constant 0 : i32
      %dma_start3A_769 = arith.constant 0 : i32
      %dma_start3A_770 = arith.constant 0 : i32
      %dma_start3A_771 = tpu.memref_slice %arg9[%dma_start3A_766, %dma_start3A_768, %dma_start3A_769, %dma_start3A_770] : memref<4x8x8x128xf32, #tpu.memory_space<vmem>> -> memref<1x8x8x128xf32, #tpu.memory_space<vmem>>
      %dma_start3A_772 = tpu.memref_squeeze %dma_start3A_771 : memref<1x8x8x128xf32, #tpu.memory_space<vmem>> -> memref<8x8x128xf32, #tpu.memory_space<vmem>>
      %dma_start3A_773 = arith.constant 0 : i32
      %dma_start3A_774 = arith.constant 0 : i32
      %dma_start3A_775 = tpu.memref_slice %arg4[%select_n3A_665, %dma_start3A_767, %mul3A_765, %dma_start3A_773, %dma_start3A_774] : memref<50x4x128x8x128xf32, #tpu.memory_space<hbm>> -> memref<1x1x8x8x128xf32, #tpu.memory_space<hbm>>
      %dma_start3A_776 = tpu.memref_squeeze %dma_start3A_775 : memref<1x1x8x8x128xf32, #tpu.memory_space<hbm>> -> memref<8x8x128xf32, #tpu.memory_space<hbm>>
      %dma_start3A_777 = arith.constant 0 : i32
      %dma_start3A_778 = arith.constant 0 : i32
      %dma_start3A_779 = tpu.memref_slice %arg4[%select_n3A_665, %dma_start3A_767, %mul3A_765, %dma_start3A_777, %dma_start3A_778] : memref<50x4x128x8x128xf32, #tpu.memory_space<hbm>> -> memref<1x1x8x8x128xf32, #tpu.memory_space<hbm>>
      %dma_start3A_780 = tpu.memref_squeeze %dma_start3A_779 : memref<1x1x8x8x128xf32, #tpu.memory_space<hbm>> -> memref<8x8x128xf32, #tpu.memory_space<hbm>>
      %dma_start3A_781 = arith.constant 0 : i32
      %dma_start3A_782 = arith.constant 0 : i32
      %dma_start3A_783 = arith.constant 0 : i32
      %dma_start3A_784 = tpu.memref_slice %arg9[%dma_start3A_766, %dma_start3A_781, %dma_start3A_782, %dma_start3A_783] : memref<4x8x8x128xf32, #tpu.memory_space<vmem>> -> memref<1x8x8x128xf32, #tpu.memory_space<vmem>>
      %dma_start3A_785 = tpu.memref_squeeze %dma_start3A_784 : memref<1x8x8x128xf32, #tpu.memory_space<vmem>> -> memref<8x8x128xf32, #tpu.memory_space<vmem>>
      tpu.enqueue_dma source(%dma_start3A_785 : memref<8x8x128xf32, #tpu.memory_space<vmem>>) target(%dma_start3A_780 : memref<8x8x128xf32, #tpu.memory_space<hbm>>) target_semaphore(%arg12 : memref<!tpu.dma_semaphore, #tpu.memory_space<semaphore_mem>>)
    }
    %scan3A_104 = arith.constant 12 : i32
    %add3A_105 = arith.constant 24 : i32
    %add3A_106 = arith.addi %mul3A_2, %add3A_105 : i32
    %jit3A_107 = arith.constant 16 : i32
    %div3A_108 = arith.divsi %add3A_106, %jit3A_107 : i32
    %sign3A_109 = arith.constant 0 : i32
    %sign3A_110 = arith.cmpi sgt, %add3A_106, %sign3A_109 : i32
    %sign3A_111 = arith.extui %sign3A_110 : i1 to i32
    %sign3A_112 = arith.constant 0 : i32
    %sign3A_113 = arith.cmpi slt, %add3A_106, %sign3A_112 : i32
    %sign3A_114 = arith.extui %sign3A_113 : i1 to i32
    %sign3A_115 = arith.subi %sign3A_111, %sign3A_114 : i32
    %sign3A_116 = arith.constant 0 : i32
    %sign3A_117 = arith.cmpi sgt, %jit3A_107, %sign3A_116 : i32
    %sign3A_118 = arith.extui %sign3A_117 : i1 to i32
    %sign3A_119 = arith.constant 0 : i32
    %sign3A_120 = arith.cmpi slt, %jit3A_107, %sign3A_119 : i32
    %sign3A_121 = arith.extui %sign3A_120 : i1 to i32
    %sign3A_122 = arith.subi %sign3A_118, %sign3A_121 : i32
    %ne3A_123 = arith.cmpi ne, %sign3A_115, %sign3A_122 : i32
    %rem3A_124 = arith.remsi %add3A_106, %jit3A_107 : i32
    %ne3A_125 = arith.constant 0 : i32
    %ne3A_126 = arith.cmpi ne, %rem3A_124, %ne3A_125 : i32
    %and3A_127 = arith.andi %ne3A_123, %ne3A_126 : i1
    %sub3A_128 = arith.constant 1 : i32
    %sub3A_129 = arith.subi %div3A_108, %sub3A_128 : i32
    %select_n3A_130 = arith.select %and3A_127, %sub3A_129, %div3A_108 : i32
    %jit3A_131 = arith.constant 16 : i32
    %eq3A_132 = arith.constant 0 : i32
    %eq3A_133 = arith.cmpi eq, %jit3A_131, %eq3A_132 : i32
    %jit3A_134 = arith.constant 1 : i32
    %select_n3A_135 = arith.select %eq3A_133, %jit3A_134, %jit3A_131 : i32
    %rem3A_136 = arith.remsi %add3A_106, %select_n3A_135 : i32
    %ne3A_137 = arith.constant 0 : i32
    %ne3A_138 = arith.cmpi ne, %rem3A_136, %ne3A_137 : i32
    %lt3A_139 = arith.constant 0 : i32
    %lt3A_140 = arith.cmpi slt, %rem3A_136, %lt3A_139 : i32
    %lt3A_141 = arith.constant 0 : i32
    %lt3A_142 = arith.cmpi slt, %select_n3A_135, %lt3A_141 : i32
    %ne3A_143 = arith.xori %lt3A_140, %lt3A_142 : i1
    %and3A_144 = arith.andi %ne3A_143, %ne3A_138 : i1
    %add3A_145 = arith.addi %rem3A_136, %select_n3A_135 : i32
    %select_n3A_146 = arith.select %and3A_144, %add3A_145, %rem3A_136 : i32
    %mul3A_147 = arith.constant 1024 : i32
    %mul3A_148 = arith.muli %select_n3A_146, %mul3A_147 : i32
    "tpu.region"() ({
      %run_scoped3A = tpu.sem_alloc : memref<!tpu.dma_semaphore, #tpu.memory_space<semaphore_mem>>
      %dma_start3A_364 = tpu.memref_slice %arg2[%select_n3A_130, %mul3A_148] : memref<50x16384xi32, #tpu.memory_space<hbm>> -> memref<1x1024xi32, #tpu.memory_space<hbm>>
      %dma_start3A_365 = tpu.memref_squeeze %dma_start3A_364 : memref<1x1024xi32, #tpu.memory_space<hbm>> -> memref<1024xi32, #tpu.memory_space<hbm>>
      %dma_start3A_366 = tpu.memref_slice %arg2[%select_n3A_130, %mul3A_148] : memref<50x16384xi32, #tpu.memory_space<hbm>> -> memref<1x1024xi32, #tpu.memory_space<hbm>>
      %dma_start3A_367 = tpu.memref_squeeze %dma_start3A_366 : memref<1x1024xi32, #tpu.memory_space<hbm>> -> memref<1024xi32, #tpu.memory_space<hbm>>
      tpu.enqueue_dma source(%dma_start3A_367 : memref<1024xi32, #tpu.memory_space<hbm>>) target(%arg5 : memref<1024xi32, #tpu.memory_space<vmem>>) target_semaphore(%run_scoped3A : memref<!tpu.dma_semaphore, #tpu.memory_space<semaphore_mem>>)
      %dma_wait3A_368 = tpu.memref_slice %arg2[%select_n3A_130, %mul3A_148] : memref<50x16384xi32, #tpu.memory_space<hbm>> -> memref<1x1024xi32, #tpu.memory_space<hbm>>
      %dma_wait3A_369 = tpu.memref_squeeze %dma_wait3A_368 : memref<1x1024xi32, #tpu.memory_space<hbm>> -> memref<1024xi32, #tpu.memory_space<hbm>>
      %dma_wait3A_370 = tpu.memref_slice %arg2[%select_n3A_130, %mul3A_148] : memref<50x16384xi32, #tpu.memory_space<hbm>> -> memref<1x1024xi32, #tpu.memory_space<hbm>>
      %dma_wait3A_371 = tpu.memref_squeeze %dma_wait3A_370 : memref<1x1024xi32, #tpu.memory_space<hbm>> -> memref<1024xi32, #tpu.memory_space<hbm>>
      tpu.wait_dma2 semaphore(%run_scoped3A : memref<!tpu.dma_semaphore, #tpu.memory_space<semaphore_mem>>) src(%dma_wait3A_371 : memref<1024xi32, #tpu.memory_space<hbm>>) dst(%arg5 : memref<1024xi32, #tpu.memory_space<vmem>>)
      tpu.yield
    }) : () -> ()
    %dma_start3A_149 = arith.constant 0 : i32
    %dma_start3A_150 = arith.constant 0 : i32
    %dma_start3A_151 = tpu.memref_slice %arg7[%dma_start3A_149, %dma_start3A_150] : memref<1024x32xf32, #tpu.memory_space<vmem>> -> memref<128x32xf32, #tpu.memory_space<vmem>>
    %dma_start3A_152 = arith.constant 0 : i32
    %dma_start3A_153 = tpu.memref_slice %arg5[%dma_start3A_152] : memref<1024xi32, #tpu.memory_space<vmem>> -> memref<128xi32, #tpu.memory_space<vmem>>
    %dma_start3A_154 = arith.constant 0 : i32
    %dma_start3A_155 = arith.constant 0 : i32
    %dma_start3A_156 = tpu.memref_slice %arg3[%dma_start3A_154, %dma_start3A_155] : memref<1000000x32xf32, #tpu.memory_space<hbm>> -> memref<1000000x32xf32, #tpu.memory_space<hbm>>
    tpu.enqueue_indirect_dma source(%dma_start3A_156 : memref<1000000x32xf32, #tpu.memory_space<hbm>>) target(%dma_start3A_151 : memref<128x32xf32, #tpu.memory_space<vmem>>) offsets(%dma_start3A_153 : memref<128xi32, #tpu.memory_space<vmem>>) semaphore(%arg10 : memref<!tpu.dma_semaphore, #tpu.memory_space<semaphore_mem>>)
    %dma_start3A_157 = arith.constant 128 : i32
    %dma_start3A_158 = arith.constant 0 : i32
    %dma_start3A_159 = tpu.memref_slice %arg7[%dma_start3A_157, %dma_start3A_158] : memref<1024x32xf32, #tpu.memory_space<vmem>> -> memref<128x32xf32, #tpu.memory_space<vmem>>
    %dma_start3A_160 = arith.constant 128 : i32
    %dma_start3A_161 = tpu.memref_slice %arg5[%dma_start3A_160] : memref<1024xi32, #tpu.memory_space<vmem>> -> memref<128xi32, #tpu.memory_space<vmem>>
    %dma_start3A_162 = arith.constant 0 : i32
    %dma_start3A_163 = arith.constant 0 : i32
    %dma_start3A_164 = tpu.memref_slice %arg3[%dma_start3A_162, %dma_start3A_163] : memref<1000000x32xf32, #tpu.memory_space<hbm>> -> memref<1000000x32xf32, #tpu.memory_space<hbm>>
    tpu.enqueue_indirect_dma source(%dma_start3A_164 : memref<1000000x32xf32, #tpu.memory_space<hbm>>) target(%dma_start3A_159 : memref<128x32xf32, #tpu.memory_space<vmem>>) offsets(%dma_start3A_161 : memref<128xi32, #tpu.memory_space<vmem>>) semaphore(%arg10 : memref<!tpu.dma_semaphore, #tpu.memory_space<semaphore_mem>>)
    %dma_start3A_165 = arith.constant 256 : i32
    %dma_start3A_166 = arith.constant 0 : i32
    %dma_start3A_167 = tpu.memref_slice %arg7[%dma_start3A_165, %dma_start3A_166] : memref<1024x32xf32, #tpu.memory_space<vmem>> -> memref<128x32xf32, #tpu.memory_space<vmem>>
    %dma_start3A_168 = arith.constant 256 : i32
    %dma_start3A_169 = tpu.memref_slice %arg5[%dma_start3A_168] : memref<1024xi32, #tpu.memory_space<vmem>> -> memref<128xi32, #tpu.memory_space<vmem>>
    %dma_start3A_170 = arith.constant 0 : i32
    %dma_start3A_171 = arith.constant 0 : i32
    %dma_start3A_172 = tpu.memref_slice %arg3[%dma_start3A_170, %dma_start3A_171] : memref<1000000x32xf32, #tpu.memory_space<hbm>> -> memref<1000000x32xf32, #tpu.memory_space<hbm>>
    tpu.enqueue_indirect_dma source(%dma_start3A_172 : memref<1000000x32xf32, #tpu.memory_space<hbm>>) target(%dma_start3A_167 : memref<128x32xf32, #tpu.memory_space<vmem>>) offsets(%dma_start3A_169 : memref<128xi32, #tpu.memory_space<vmem>>) semaphore(%arg10 : memref<!tpu.dma_semaphore, #tpu.memory_space<semaphore_mem>>)
    %dma_start3A_173 = arith.constant 384 : i32
    %dma_start3A_174 = arith.constant 0 : i32
    %dma_start3A_175 = tpu.memref_slice %arg7[%dma_start3A_173, %dma_start3A_174] : memref<1024x32xf32, #tpu.memory_space<vmem>> -> memref<128x32xf32, #tpu.memory_space<vmem>>
    %dma_start3A_176 = arith.constant 384 : i32
    %dma_start3A_177 = tpu.memref_slice %arg5[%dma_start3A_176] : memref<1024xi32, #tpu.memory_space<vmem>> -> memref<128xi32, #tpu.memory_space<vmem>>
    %dma_start3A_178 = arith.constant 0 : i32
    %dma_start3A_179 = arith.constant 0 : i32
    %dma_start3A_180 = tpu.memref_slice %arg3[%dma_start3A_178, %dma_start3A_179] : memref<1000000x32xf32, #tpu.memory_space<hbm>> -> memref<1000000x32xf32, #tpu.memory_space<hbm>>
    tpu.enqueue_indirect_dma source(%dma_start3A_180 : memref<1000000x32xf32, #tpu.memory_space<hbm>>) target(%dma_start3A_175 : memref<128x32xf32, #tpu.memory_space<vmem>>) offsets(%dma_start3A_177 : memref<128xi32, #tpu.memory_space<vmem>>) semaphore(%arg10 : memref<!tpu.dma_semaphore, #tpu.memory_space<semaphore_mem>>)
    %dma_start3A_181 = arith.constant 512 : i32
    %dma_start3A_182 = arith.constant 0 : i32
    %dma_start3A_183 = tpu.memref_slice %arg7[%dma_start3A_181, %dma_start3A_182] : memref<1024x32xf32, #tpu.memory_space<vmem>> -> memref<128x32xf32, #tpu.memory_space<vmem>>
    %dma_start3A_184 = arith.constant 512 : i32
    %dma_start3A_185 = tpu.memref_slice %arg5[%dma_start3A_184] : memref<1024xi32, #tpu.memory_space<vmem>> -> memref<128xi32, #tpu.memory_space<vmem>>
    %dma_start3A_186 = arith.constant 0 : i32
    %dma_start3A_187 = arith.constant 0 : i32
    %dma_start3A_188 = tpu.memref_slice %arg3[%dma_start3A_186, %dma_start3A_187] : memref<1000000x32xf32, #tpu.memory_space<hbm>> -> memref<1000000x32xf32, #tpu.memory_space<hbm>>
    tpu.enqueue_indirect_dma source(%dma_start3A_188 : memref<1000000x32xf32, #tpu.memory_space<hbm>>) target(%dma_start3A_183 : memref<128x32xf32, #tpu.memory_space<vmem>>) offsets(%dma_start3A_185 : memref<128xi32, #tpu.memory_space<vmem>>) semaphore(%arg10 : memref<!tpu.dma_semaphore, #tpu.memory_space<semaphore_mem>>)
    %dma_start3A_189 = arith.constant 640 : i32
    %dma_start3A_190 = arith.constant 0 : i32
    %dma_start3A_191 = tpu.memref_slice %arg7[%dma_start3A_189, %dma_start3A_190] : memref<1024x32xf32, #tpu.memory_space<vmem>> -> memref<128x32xf32, #tpu.memory_space<vmem>>
    %dma_start3A_192 = arith.constant 640 : i32
    %dma_start3A_193 = tpu.memref_slice %arg5[%dma_start3A_192] : memref<1024xi32, #tpu.memory_space<vmem>> -> memref<128xi32, #tpu.memory_space<vmem>>
    %dma_start3A_194 = arith.constant 0 : i32
    %dma_start3A_195 = arith.constant 0 : i32
    %dma_start3A_196 = tpu.memref_slice %arg3[%dma_start3A_194, %dma_start3A_195] : memref<1000000x32xf32, #tpu.memory_space<hbm>> -> memref<1000000x32xf32, #tpu.memory_space<hbm>>
    tpu.enqueue_indirect_dma source(%dma_start3A_196 : memref<1000000x32xf32, #tpu.memory_space<hbm>>) target(%dma_start3A_191 : memref<128x32xf32, #tpu.memory_space<vmem>>) offsets(%dma_start3A_193 : memref<128xi32, #tpu.memory_space<vmem>>) semaphore(%arg10 : memref<!tpu.dma_semaphore, #tpu.memory_space<semaphore_mem>>)
    %dma_start3A_197 = arith.constant 768 : i32
    %dma_start3A_198 = arith.constant 0 : i32
    %dma_start3A_199 = tpu.memref_slice %arg7[%dma_start3A_197, %dma_start3A_198] : memref<1024x32xf32, #tpu.memory_space<vmem>> -> memref<128x32xf32, #tpu.memory_space<vmem>>
    %dma_start3A_200 = arith.constant 768 : i32
    %dma_start3A_201 = tpu.memref_slice %arg5[%dma_start3A_200] : memref<1024xi32, #tpu.memory_space<vmem>> -> memref<128xi32, #tpu.memory_space<vmem>>
    %dma_start3A_202 = arith.constant 0 : i32
    %dma_start3A_203 = arith.constant 0 : i32
    %dma_start3A_204 = tpu.memref_slice %arg3[%dma_start3A_202, %dma_start3A_203] : memref<1000000x32xf32, #tpu.memory_space<hbm>> -> memref<1000000x32xf32, #tpu.memory_space<hbm>>
    tpu.enqueue_indirect_dma source(%dma_start3A_204 : memref<1000000x32xf32, #tpu.memory_space<hbm>>) target(%dma_start3A_199 : memref<128x32xf32, #tpu.memory_space<vmem>>) offsets(%dma_start3A_201 : memref<128xi32, #tpu.memory_space<vmem>>) semaphore(%arg10 : memref<!tpu.dma_semaphore, #tpu.memory_space<semaphore_mem>>)
    %dma_start3A_205 = arith.constant 896 : i32
    %dma_start3A_206 = arith.constant 0 : i32
    %dma_start3A_207 = tpu.memref_slice %arg7[%dma_start3A_205, %dma_start3A_206] : memref<1024x32xf32, #tpu.memory_space<vmem>> -> memref<128x32xf32, #tpu.memory_space<vmem>>
    %dma_start3A_208 = arith.constant 896 : i32
    %dma_start3A_209 = tpu.memref_slice %arg5[%dma_start3A_208] : memref<1024xi32, #tpu.memory_space<vmem>> -> memref<128xi32, #tpu.memory_space<vmem>>
    %dma_start3A_210 = arith.constant 0 : i32
    %dma_start3A_211 = arith.constant 0 : i32
    %dma_start3A_212 = tpu.memref_slice %arg3[%dma_start3A_210, %dma_start3A_211] : memref<1000000x32xf32, #tpu.memory_space<hbm>> -> memref<1000000x32xf32, #tpu.memory_space<hbm>>
    tpu.enqueue_indirect_dma source(%dma_start3A_212 : memref<1000000x32xf32, #tpu.memory_space<hbm>>) target(%dma_start3A_207 : memref<128x32xf32, #tpu.memory_space<vmem>>) offsets(%dma_start3A_209 : memref<128xi32, #tpu.memory_space<vmem>>) semaphore(%arg10 : memref<!tpu.dma_semaphore, #tpu.memory_space<semaphore_mem>>)
    %dma_wait3A = arith.constant 0 : i32
    %dma_wait3A_213 = arith.constant 0 : i32
    %dma_wait3A_214 = tpu.memref_slice %arg3[%dma_wait3A, %dma_wait3A_213] : memref<1000000x32xf32, #tpu.memory_space<hbm>> -> memref<1024x32xf32, #tpu.memory_space<hbm>>
    %dma_wait3A_215 = arith.constant 0 : i32
    %dma_wait3A_216 = arith.constant 0 : i32
    %dma_wait3A_217 = tpu.memref_slice %arg3[%dma_wait3A_215, %dma_wait3A_216] : memref<1000000x32xf32, #tpu.memory_space<hbm>> -> memref<1024x32xf32, #tpu.memory_space<hbm>>
    tpu.wait_dma2 semaphore(%arg10 : memref<!tpu.dma_semaphore, #tpu.memory_space<semaphore_mem>>) src(%dma_wait3A_217 : memref<1024x32xf32, #tpu.memory_space<hbm>>) dst(%arg7 : memref<1024x32xf32, #tpu.memory_space<vmem>>)
    %add3A_218 = arith.constant 24 : i32
    %add3A_219 = arith.addi %mul3A_2, %add3A_218 : i32
    %jit3A_220 = arith.constant 16 : i32
    %div3A_221 = arith.divsi %add3A_219, %jit3A_220 : i32
    %sign3A_222 = arith.constant 0 : i32
    %sign3A_223 = arith.cmpi sgt, %add3A_219, %sign3A_222 : i32
    %sign3A_224 = arith.extui %sign3A_223 : i1 to i32
    %sign3A_225 = arith.constant 0 : i32
    %sign3A_226 = arith.cmpi slt, %add3A_219, %sign3A_225 : i32
    %sign3A_227 = arith.extui %sign3A_226 : i1 to i32
    %sign3A_228 = arith.subi %sign3A_224, %sign3A_227 : i32
    %sign3A_229 = arith.constant 0 : i32
    %sign3A_230 = arith.cmpi sgt, %jit3A_220, %sign3A_229 : i32
    %sign3A_231 = arith.extui %sign3A_230 : i1 to i32
    %sign3A_232 = arith.constant 0 : i32
    %sign3A_233 = arith.cmpi slt, %jit3A_220, %sign3A_232 : i32
    %sign3A_234 = arith.extui %sign3A_233 : i1 to i32
    %sign3A_235 = arith.subi %sign3A_231, %sign3A_234 : i32
    %ne3A_236 = arith.cmpi ne, %sign3A_228, %sign3A_235 : i32
    %rem3A_237 = arith.remsi %add3A_219, %jit3A_220 : i32
    %ne3A_238 = arith.constant 0 : i32
    %ne3A_239 = arith.cmpi ne, %rem3A_237, %ne3A_238 : i32
    %and3A_240 = arith.andi %ne3A_236, %ne3A_239 : i1
    %sub3A_241 = arith.constant 1 : i32
    %sub3A_242 = arith.subi %div3A_221, %sub3A_241 : i32
    %select_n3A_243 = arith.select %and3A_240, %sub3A_242, %div3A_221 : i32
    %jit3A_244 = arith.constant 16 : i32
    %eq3A_245 = arith.constant 0 : i32
    %eq3A_246 = arith.cmpi eq, %jit3A_244, %eq3A_245 : i32
    %jit3A_247 = arith.constant 1 : i32
    %select_n3A_248 = arith.select %eq3A_246, %jit3A_247, %jit3A_244 : i32
    %rem3A_249 = arith.remsi %add3A_219, %select_n3A_248 : i32
    %ne3A_250 = arith.constant 0 : i32
    %ne3A_251 = arith.cmpi ne, %rem3A_249, %ne3A_250 : i32
    %lt3A_252 = arith.constant 0 : i32
    %lt3A_253 = arith.cmpi slt, %rem3A_249, %lt3A_252 : i32
    %lt3A_254 = arith.constant 0 : i32
    %lt3A_255 = arith.cmpi slt, %select_n3A_248, %lt3A_254 : i32
    %ne3A_256 = arith.xori %lt3A_253, %lt3A_255 : i1
    %and3A_257 = arith.andi %ne3A_256, %ne3A_251 : i1
    %add3A_258 = arith.addi %rem3A_249, %select_n3A_248 : i32
    %select_n3A_259 = arith.select %and3A_257, %add3A_258, %rem3A_249 : i32
    %not3A = arith.constant false
    %not3A_260 = arith.constant true
    %not3A_261 = arith.xori %not3A, %not3A_260 : i1
    %convert_element_type3A = arith.extui %not3A_261 : i1 to i32
    %cond3A = arith.constant 0 : i32
    %cond3A_262 = arith.cmpi ne, %convert_element_type3A, %cond3A : i32
    scf.if %cond3A_262 {
      %dma_wait3A_364 = arith.constant 0 : i32
      %dma_wait3A_365 = arith.constant 0 : i32
      %dma_wait3A_366 = arith.constant 0 : i32
      %dma_wait3A_367 = arith.constant 0 : i32
      %dma_wait3A_368 = arith.constant 0 : i32
      %dma_wait3A_369 = tpu.memref_slice %arg4[%dma_wait3A_364, %dma_wait3A_365, %dma_wait3A_366, %dma_wait3A_367, %dma_wait3A_368] : memref<50x4x128x8x128xf32, #tpu.memory_space<hbm>> -> memref<1x4x8x8x128xf32, #tpu.memory_space<hbm>>
      %dma_wait3A_370 = tpu.memref_squeeze %dma_wait3A_369 : memref<1x4x8x8x128xf32, #tpu.memory_space<hbm>> -> memref<4x8x8x128xf32, #tpu.memory_space<hbm>>
      %dma_wait3A_371 = arith.constant 0 : i32
      %dma_wait3A_372 = arith.constant 0 : i32
      %dma_wait3A_373 = arith.constant 0 : i32
      %dma_wait3A_374 = arith.constant 0 : i32
      %dma_wait3A_375 = tpu.memref_slice %arg4[%dma_wait3A_364, %dma_wait3A_371, %dma_wait3A_372, %dma_wait3A_373, %dma_wait3A_374] : memref<50x4x128x8x128xf32, #tpu.memory_space<hbm>> -> memref<1x4x8x8x128xf32, #tpu.memory_space<hbm>>
      %dma_wait3A_376 = tpu.memref_squeeze %dma_wait3A_375 : memref<1x4x8x8x128xf32, #tpu.memory_space<hbm>> -> memref<4x8x8x128xf32, #tpu.memory_space<hbm>>
      tpu.wait_dma2 semaphore(%arg12 : memref<!tpu.dma_semaphore, #tpu.memory_space<semaphore_mem>>) src(%arg9 : memref<4x8x8x128xf32, #tpu.memory_space<vmem>>) dst(%dma_wait3A_376 : memref<4x8x8x128xf32, #tpu.memory_space<hbm>>)
    } else {
    }
    %iota3A = tpu.iota {dimensions = array<i32: 0>} : vector<16xi32>
    %shift_right_arithmetic3A = arith.constant 3 : i32
    %shift_right_arithmetic3A_263 = vector.broadcast %shift_right_arithmetic3A : i32 to vector<16xi32>
    %shift_right_arithmetic3A_264 = arith.shrsi %iota3A, %shift_right_arithmetic3A_263 : vector<16xi32>
    %and3A_265 = arith.constant 7 : i32
    %and3A_266 = vector.broadcast %and3A_265 : i32 to vector<16xi32>
    %and3A_267 = arith.andi %iota3A, %and3A_266 : vector<16xi32>
    %parallel_loop3A = arith.constant 0 : i32
    %parallel_loop3A_268 = arith.constant 1024 : i32
    %parallel_loop3A_269 = arith.constant 1 : i32
    scf.for %parallel_loop3A_364 = %parallel_loop3A to %parallel_loop3A_268 step %parallel_loop3A_269  : i32 {
      %parallel_loop3A_365 = arith.constant 7 : i32
      %parallel_loop3A_366 = arith.shrsi %parallel_loop3A_364, %parallel_loop3A_365 : i32
      %parallel_loop3A_367 = vector.broadcast %parallel_loop3A_366 : i32 to vector<16xi32>
      %parallel_loop3A_368 = arith.constant 127 : i32
      %parallel_loop3A_369 = arith.andi %parallel_loop3A_364, %parallel_loop3A_368 : i32
      %parallel_loop3A_370 = vector.broadcast %parallel_loop3A_369 : i32 to vector<16xi32>
      %parallel_loop3A_371 = arith.index_cast %parallel_loop3A_364 : i32 to index
      %parallel_loop3A_372 = arith.constant 0 : index
      %parallel_loop3A_373 = tpu.vector_load %arg7[%parallel_loop3A_371, %parallel_loop3A_372] {strides = array<i32>} : memref<1024x32xf32, #tpu.memory_space<vmem>>, vector<16xf32>,
      %parallel_loop3A_374 = arith.index_cast %parallel_loop3A_364 : i32 to index
      %parallel_loop3A_375 = arith.constant 16 : index
      %parallel_loop3A_376 = tpu.vector_load %arg7[%parallel_loop3A_374, %parallel_loop3A_375] {strides = array<i32>} : memref<1024x32xf32, #tpu.memory_space<vmem>>, vector<16xf32>,
      tpu.vector_store_idx %arg9[%shift_right_arithmetic3A_264, %parallel_loop3A_367, %and3A_267, %parallel_loop3A_370], %parallel_loop3A_373 : memref<4x8x8x128xf32, #tpu.memory_space<vmem>>[vector<16xi32>, vector<16xi32>, vector<16xi32>, vector<16xi32>], vector<16xf32>,
      %parallel_loop3A_377 = arith.constant 2 : i32
      %parallel_loop3A_378 = vector.broadcast %parallel_loop3A_377 : i32 to vector<16xi32>
      %parallel_loop3A_379 = arith.addi %shift_right_arithmetic3A_264, %parallel_loop3A_378 : vector<16xi32>
      tpu.vector_store_idx %arg9[%parallel_loop3A_379, %parallel_loop3A_367, %and3A_267, %parallel_loop3A_370], %parallel_loop3A_376 : memref<4x8x8x128xf32, #tpu.memory_space<vmem>>[vector<16xi32>, vector<16xi32>, vector<16xi32>, vector<16xi32>], vector<16xf32>,
    } {sc.loop_unroll_factor = 4 : i64, sc.parallel_access}
    %mul3A_270 = arith.constant 8 : i32
    %mul3A_271 = arith.muli %select_n3A_259, %mul3A_270 : i32
    %dma_start3A_272 = arith.constant 0 : i32
    %dma_start3A_273 = arith.constant 0 : i32
    %dma_start3A_274 = arith.constant 0 : i32
    %dma_start3A_275 = arith.constant 0 : i32
    %dma_start3A_276 = arith.constant 0 : i32
    %dma_start3A_277 = tpu.memref_slice %arg9[%dma_start3A_272, %dma_start3A_274, %dma_start3A_275, %dma_start3A_276] : memref<4x8x8x128xf32, #tpu.memory_space<vmem>> -> memref<1x8x8x128xf32, #tpu.memory_space<vmem>>
    %dma_start3A_278 = tpu.memref_squeeze %dma_start3A_277 : memref<1x8x8x128xf32, #tpu.memory_space<vmem>> -> memref<8x8x128xf32, #tpu.memory_space<vmem>>
    %dma_start3A_279 = arith.constant 0 : i32
    %dma_start3A_280 = arith.constant 0 : i32
    %dma_start3A_281 = tpu.memref_slice %arg4[%select_n3A_243, %dma_start3A_273, %mul3A_271, %dma_start3A_279, %dma_start3A_280] : memref<50x4x128x8x128xf32, #tpu.memory_space<hbm>> -> memref<1x1x8x8x128xf32, #tpu.memory_space<hbm>>
    %dma_start3A_282 = tpu.memref_squeeze %dma_start3A_281 : memref<1x1x8x8x128xf32, #tpu.memory_space<hbm>> -> memref<8x8x128xf32, #tpu.memory_space<hbm>>
    %dma_start3A_283 = arith.constant 0 : i32
    %dma_start3A_284 = arith.constant 0 : i32
    %dma_start3A_285 = tpu.memref_slice %arg4[%select_n3A_243, %dma_start3A_273, %mul3A_271, %dma_start3A_283, %dma_start3A_284] : memref<50x4x128x8x128xf32, #tpu.memory_space<hbm>> -> memref<1x1x8x8x128xf32, #tpu.memory_space<hbm>>
    %dma_start3A_286 = tpu.memref_squeeze %dma_start3A_285 : memref<1x1x8x8x128xf32, #tpu.memory_space<hbm>> -> memref<8x8x128xf32, #tpu.memory_space<hbm>>
    %dma_start3A_287 = arith.constant 0 : i32
    %dma_start3A_288 = arith.constant 0 : i32
    %dma_start3A_289 = arith.constant 0 : i32
    %dma_start3A_290 = tpu.memref_slice %arg9[%dma_start3A_272, %dma_start3A_287, %dma_start3A_288, %dma_start3A_289] : memref<4x8x8x128xf32, #tpu.memory_space<vmem>> -> memref<1x8x8x128xf32, #tpu.memory_space<vmem>>
    %dma_start3A_291 = tpu.memref_squeeze %dma_start3A_290 : memref<1x8x8x128xf32, #tpu.memory_space<vmem>> -> memref<8x8x128xf32, #tpu.memory_space<vmem>>
    tpu.enqueue_dma source(%dma_start3A_291 : memref<8x8x128xf32, #tpu.memory_space<vmem>>) target(%dma_start3A_286 : memref<8x8x128xf32, #tpu.memory_space<hbm>>) target_semaphore(%arg12 : memref<!tpu.dma_semaphore, #tpu.memory_space<semaphore_mem>>)
    %mul3A_292 = arith.constant 8 : i32
    %mul3A_293 = arith.muli %select_n3A_259, %mul3A_292 : i32
    %dma_start3A_294 = arith.constant 1 : i32
    %dma_start3A_295 = arith.constant 1 : i32
    %dma_start3A_296 = arith.constant 0 : i32
    %dma_start3A_297 = arith.constant 0 : i32
    %dma_start3A_298 = arith.constant 0 : i32
    %dma_start3A_299 = tpu.memref_slice %arg9[%dma_start3A_294, %dma_start3A_296, %dma_start3A_297, %dma_start3A_298] : memref<4x8x8x128xf32, #tpu.memory_space<vmem>> -> memref<1x8x8x128xf32, #tpu.memory_space<vmem>>
    %dma_start3A_300 = tpu.memref_squeeze %dma_start3A_299 : memref<1x8x8x128xf32, #tpu.memory_space<vmem>> -> memref<8x8x128xf32, #tpu.memory_space<vmem>>
    %dma_start3A_301 = arith.constant 0 : i32
    %dma_start3A_302 = arith.constant 0 : i32
    %dma_start3A_303 = tpu.memref_slice %arg4[%select_n3A_243, %dma_start3A_295, %mul3A_293, %dma_start3A_301, %dma_start3A_302] : memref<50x4x128x8x128xf32, #tpu.memory_space<hbm>> -> memref<1x1x8x8x128xf32, #tpu.memory_space<hbm>>
    %dma_start3A_304 = tpu.memref_squeeze %dma_start3A_303 : memref<1x1x8x8x128xf32, #tpu.memory_space<hbm>> -> memref<8x8x128xf32, #tpu.memory_space<hbm>>
    %dma_start3A_305 = arith.constant 0 : i32
    %dma_start3A_306 = arith.constant 0 : i32
    %dma_start3A_307 = tpu.memref_slice %arg4[%select_n3A_243, %dma_start3A_295, %mul3A_293, %dma_start3A_305, %dma_start3A_306] : memref<50x4x128x8x128xf32, #tpu.memory_space<hbm>> -> memref<1x1x8x8x128xf32, #tpu.memory_space<hbm>>
    %dma_start3A_308 = tpu.memref_squeeze %dma_start3A_307 : memref<1x1x8x8x128xf32, #tpu.memory_space<hbm>> -> memref<8x8x128xf32, #tpu.memory_space<hbm>>
    %dma_start3A_309 = arith.constant 0 : i32
    %dma_start3A_310 = arith.constant 0 : i32
    %dma_start3A_311 = arith.constant 0 : i32
    %dma_start3A_312 = tpu.memref_slice %arg9[%dma_start3A_294, %dma_start3A_309, %dma_start3A_310, %dma_start3A_311] : memref<4x8x8x128xf32, #tpu.memory_space<vmem>> -> memref<1x8x8x128xf32, #tpu.memory_space<vmem>>
    %dma_start3A_313 = tpu.memref_squeeze %dma_start3A_312 : memref<1x8x8x128xf32, #tpu.memory_space<vmem>> -> memref<8x8x128xf32, #tpu.memory_space<vmem>>
    tpu.enqueue_dma source(%dma_start3A_313 : memref<8x8x128xf32, #tpu.memory_space<vmem>>) target(%dma_start3A_308 : memref<8x8x128xf32, #tpu.memory_space<hbm>>) target_semaphore(%arg12 : memref<!tpu.dma_semaphore, #tpu.memory_space<semaphore_mem>>)
    %mul3A_314 = arith.constant 8 : i32
    %mul3A_315 = arith.muli %select_n3A_259, %mul3A_314 : i32
    %dma_start3A_316 = arith.constant 2 : i32
    %dma_start3A_317 = arith.constant 2 : i32
    %dma_start3A_318 = arith.constant 0 : i32
    %dma_start3A_319 = arith.constant 0 : i32
    %dma_start3A_320 = arith.constant 0 : i32
    %dma_start3A_321 = tpu.memref_slice %arg9[%dma_start3A_316, %dma_start3A_318, %dma_start3A_319, %dma_start3A_320] : memref<4x8x8x128xf32, #tpu.memory_space<vmem>> -> memref<1x8x8x128xf32, #tpu.memory_space<vmem>>
    %dma_start3A_322 = tpu.memref_squeeze %dma_start3A_321 : memref<1x8x8x128xf32, #tpu.memory_space<vmem>> -> memref<8x8x128xf32, #tpu.memory_space<vmem>>
    %dma_start3A_323 = arith.constant 0 : i32
    %dma_start3A_324 = arith.constant 0 : i32
    %dma_start3A_325 = tpu.memref_slice %arg4[%select_n3A_243, %dma_start3A_317, %mul3A_315, %dma_start3A_323, %dma_start3A_324] : memref<50x4x128x8x128xf32, #tpu.memory_space<hbm>> -> memref<1x1x8x8x128xf32, #tpu.memory_space<hbm>>
    %dma_start3A_326 = tpu.memref_squeeze %dma_start3A_325 : memref<1x1x8x8x128xf32, #tpu.memory_space<hbm>> -> memref<8x8x128xf32, #tpu.memory_space<hbm>>
    %dma_start3A_327 = arith.constant 0 : i32
    %dma_start3A_328 = arith.constant 0 : i32
    %dma_start3A_329 = tpu.memref_slice %arg4[%select_n3A_243, %dma_start3A_317, %mul3A_315, %dma_start3A_327, %dma_start3A_328] : memref<50x4x128x8x128xf32, #tpu.memory_space<hbm>> -> memref<1x1x8x8x128xf32, #tpu.memory_space<hbm>>
    %dma_start3A_330 = tpu.memref_squeeze %dma_start3A_329 : memref<1x1x8x8x128xf32, #tpu.memory_space<hbm>> -> memref<8x8x128xf32, #tpu.memory_space<hbm>>
    %dma_start3A_331 = arith.constant 0 : i32
    %dma_start3A_332 = arith.constant 0 : i32
    %dma_start3A_333 = arith.constant 0 : i32
    %dma_start3A_334 = tpu.memref_slice %arg9[%dma_start3A_316, %dma_start3A_331, %dma_start3A_332, %dma_start3A_333] : memref<4x8x8x128xf32, #tpu.memory_space<vmem>> -> memref<1x8x8x128xf32, #tpu.memory_space<vmem>>
    %dma_start3A_335 = tpu.memref_squeeze %dma_start3A_334 : memref<1x8x8x128xf32, #tpu.memory_space<vmem>> -> memref<8x8x128xf32, #tpu.memory_space<vmem>>
    tpu.enqueue_dma source(%dma_start3A_335 : memref<8x8x128xf32, #tpu.memory_space<vmem>>) target(%dma_start3A_330 : memref<8x8x128xf32, #tpu.memory_space<hbm>>) target_semaphore(%arg12 : memref<!tpu.dma_semaphore, #tpu.memory_space<semaphore_mem>>)
    %mul3A_336 = arith.constant 8 : i32
    %mul3A_337 = arith.muli %select_n3A_259, %mul3A_336 : i32
    %dma_start3A_338 = arith.constant 3 : i32
    %dma_start3A_339 = arith.constant 3 : i32
    %dma_start3A_340 = arith.constant 0 : i32
    %dma_start3A_341 = arith.constant 0 : i32
    %dma_start3A_342 = arith.constant 0 : i32
    %dma_start3A_343 = tpu.memref_slice %arg9[%dma_start3A_338, %dma_start3A_340, %dma_start3A_341, %dma_start3A_342] : memref<4x8x8x128xf32, #tpu.memory_space<vmem>> -> memref<1x8x8x128xf32, #tpu.memory_space<vmem>>
    %dma_start3A_344 = tpu.memref_squeeze %dma_start3A_343 : memref<1x8x8x128xf32, #tpu.memory_space<vmem>> -> memref<8x8x128xf32, #tpu.memory_space<vmem>>
    %dma_start3A_345 = arith.constant 0 : i32
    %dma_start3A_346 = arith.constant 0 : i32
    %dma_start3A_347 = tpu.memref_slice %arg4[%select_n3A_243, %dma_start3A_339, %mul3A_337, %dma_start3A_345, %dma_start3A_346] : memref<50x4x128x8x128xf32, #tpu.memory_space<hbm>> -> memref<1x1x8x8x128xf32, #tpu.memory_space<hbm>>
    %dma_start3A_348 = tpu.memref_squeeze %dma_start3A_347 : memref<1x1x8x8x128xf32, #tpu.memory_space<hbm>> -> memref<8x8x128xf32, #tpu.memory_space<hbm>>
    %dma_start3A_349 = arith.constant 0 : i32
    %dma_start3A_350 = arith.constant 0 : i32
    %dma_start3A_351 = tpu.memref_slice %arg4[%select_n3A_243, %dma_start3A_339, %mul3A_337, %dma_start3A_349, %dma_start3A_350] : memref<50x4x128x8x128xf32, #tpu.memory_space<hbm>> -> memref<1x1x8x8x128xf32, #tpu.memory_space<hbm>>
    %dma_start3A_352 = tpu.memref_squeeze %dma_start3A_351 : memref<1x1x8x8x128xf32, #tpu.memory_space<hbm>> -> memref<8x8x128xf32, #tpu.memory_space<hbm>>
    %dma_start3A_353 = arith.constant 0 : i32
    %dma_start3A_354 = arith.constant 0 : i32
    %dma_start3A_355 = arith.constant 0 : i32
    %dma_start3A_356 = tpu.memref_slice %arg9[%dma_start3A_338, %dma_start3A_353, %dma_start3A_354, %dma_start3A_355] : memref<4x8x8x128xf32, #tpu.memory_space<vmem>> -> memref<1x8x8x128xf32, #tpu.memory_space<vmem>>
    %dma_start3A_357 = tpu.memref_squeeze %dma_start3A_356 : memref<1x8x8x128xf32, #tpu.memory_space<vmem>> -> memref<8x8x128xf32, #tpu.memory_space<vmem>>
    tpu.enqueue_dma source(%dma_start3A_357 : memref<8x8x128xf32, #tpu.memory_space<vmem>>) target(%dma_start3A_352 : memref<8x8x128xf32, #tpu.memory_space<hbm>>) target_semaphore(%arg12 : memref<!tpu.dma_semaphore, #tpu.memory_space<semaphore_mem>>)
    %not3A_358 = arith.constant false
    %not3A_359 = arith.constant true
    %not3A_360 = arith.xori %not3A_358, %not3A_359 : i1
    %convert_element_type3A_361 = arith.extui %not3A_360 : i1 to i32
    %cond3A_362 = arith.constant 0 : i32
    %cond3A_363 = arith.cmpi ne, %convert_element_type3A_361, %cond3A_362 : i32
    scf.if %cond3A_363 {
      %dma_wait3A_364 = arith.constant 0 : i32
      %dma_wait3A_365 = arith.constant 0 : i32
      %dma_wait3A_366 = arith.constant 0 : i32
      %dma_wait3A_367 = arith.constant 0 : i32
      %dma_wait3A_368 = arith.constant 0 : i32
      %dma_wait3A_369 = tpu.memref_slice %arg4[%dma_wait3A_364, %dma_wait3A_365, %dma_wait3A_366, %dma_wait3A_367, %dma_wait3A_368] : memref<50x4x128x8x128xf32, #tpu.memory_space<hbm>> -> memref<1x4x8x8x128xf32, #tpu.memory_space<hbm>>
      %dma_wait3A_370 = tpu.memref_squeeze %dma_wait3A_369 : memref<1x4x8x8x128xf32, #tpu.memory_space<hbm>> -> memref<4x8x8x128xf32, #tpu.memory_space<hbm>>
      %dma_wait3A_371 = arith.constant 0 : i32
      %dma_wait3A_372 = arith.constant 0 : i32
      %dma_wait3A_373 = arith.constant 0 : i32
      %dma_wait3A_374 = arith.constant 0 : i32
      %dma_wait3A_375 = tpu.memref_slice %arg4[%dma_wait3A_364, %dma_wait3A_371, %dma_wait3A_372, %dma_wait3A_373, %dma_wait3A_374] : memref<50x4x128x8x128xf32, #tpu.memory_space<hbm>> -> memref<1x4x8x8x128xf32, #tpu.memory_space<hbm>>
      %dma_wait3A_376 = tpu.memref_squeeze %dma_wait3A_375 : memref<1x4x8x8x128xf32, #tpu.memory_space<hbm>> -> memref<4x8x8x128xf32, #tpu.memory_space<hbm>>
      tpu.wait_dma2 semaphore(%arg12 : memref<!tpu.dma_semaphore, #tpu.memory_space<semaphore_mem>>) src(%arg9 : memref<4x8x8x128xf32, #tpu.memory_space<vmem>>) dst(%dma_wait3A_376 : memref<4x8x8x128xf32, #tpu.memory_space<hbm>>)
    } else {
    }
    return
  }
}

</mosaic_0001>

<sc_bundles>
// kernel: kernel.3.cloned.1.call-start
scs
__scs_entry_jumppad:
0x0: {  	(pc) =	sbr.rel $0x88, $3  }
0x1: {  	(tag) =	ssettag $0x0;
	lr =	simm.s32 $0x1  }
0x2: {  	[smem:$0x3F9F] =	sst lr;
	_ =	strace $0xD0000000  }
0x3: {  	_ = 	snop  }
0x4: {  	_ = 	snop  }
0x5: {  	_ = 	snop  }
0x6: {  	_ = 	snop  }
0x7: {  	_ = 	snop  }
__scs_overlays_trampoline_lowered:
0x8: {  	[smem:$0x3FAE] =	sst s0  }
0x9: {  	[smem:$0x3FAF] =	sst s1  }
0xa: {  	[smem:$0x3FB0] =	sst s2  }
0xb: {  	[smem:$0x3FB1] =	sst s3  }
0xc: {  	[smem:$0x3FB2] =	sst s4  }
0xd: {  	[smem:$0x3FB3] =	sst s5  }
0xe: {  	[smem:$0x3FB4] =	sst s6  }
0xf: {  	[smem:$0x3FB5] =	sst s7  }
0x10: {  	[smem:$0x3FB6] =	sst s8  }
0x11: {  	[smem:$0x3FB7] =	sst s9;
	s0 =	simm.s32 @!p0 $0x0  }
0x12: {  	s1 =	sld [smem:$0x3F9D];
	s0 =	simm.s32 @p0 $0x1  }
0x13: {  	[smem:$0x3FB8] =	sst s0;
	s0 =	simm.s32 @!p1 $0x0  }
0x14: {  	s2 =	sld [smem:$0x3F9C];
	s0 =	simm.s32 @p1 $0x1  }
0x15: {  	[smem:$0x3FB9] =	sst s0;
	s0 =	simm.s32 @!p2 $0x0  }
0x16: {  	s3 =	sld [smem:$0x3FDB];
	s0 =	simm.s32 @p2 $0x1  }
0x17: {  	s4 =	simm.s32 $0x1BF5;
	[smem:$0x3FBB] =	sst s0  }
0x18: {  	s0 =	sld [smem:$0x3F9E];
	_ =	swait.ge [sflag:s4], $0x0  }
0x19: {  	s7 =	sld [smem:$0x3F9F]  }
0x1a: {  	s8 =	sadd.s32 $0xFFFFE003, lr  }
0x1b: {  	s9 =	sadd.s32 $0xFFFFFEF7, lr;
	s5 =	simm.s32 $0xFFFFFFFF;
	p2 =	slt.u32 s8, $0xFFFFF086  }
0x1c: {  	p1 =	slt.u32 s9, $0xF7A;
	s5 =	simm.s32 @!p2 $0x0  }
0x1d: {  	s5 =	simm.s32 @p1 $0x1;
	p0 =	seq.s32 s7, s2  }
0x1e: {  	s7 =	smul.u32 @!p0 $0xF7A, s2;
	p2 =	seq.s32 @!p0 s5, $0x0  }
0x1f: {  	s9 =	smul.u32 $0xF7A, s1;
	s8 =	simm.s32 @!p0 $0x1BF5;
	p2 =	por !p2, p0  }
0x20: {  	[sflag:s8] =	ssyncset.s32 @!p0 $0xFFFFF086;
	s6 =	sadd.s32 @!p0 s3, s7;
	s7 =	simm.s32 @!p0 $0x108  }
0x21: {  	s3 =	sadd.s32 s3, s9;
	s6 =	sadd.s32 @!p0 $0x88, s6;
	s7 =	simm.s32 @p2 $0x1082  }
0x22: {  	[simem:s7], [sflag:s8] =	dma.local @!p0 [hbm:s6], $0xF7A  }
0x23: {  	s9 =	sor.u32 $0xD0000000, s2;
	s6 =	simm.s32 $0x108;
	_ =	swait.ge @!p0 [sflag:s8], $0x0  }
0x24: {  	s3 =	sadd.s32 $0x88, s3;
	s6 =	simm.s32 @!p1 $0x1082;
	[sflag:s4] =	ssyncset.s32 $0xFFFFF086  }
0x25: {  	[simem:s6], [sflag:s4] =	dma.local [hbm:s3], $0xF7A  }
0x26: {  	[smem:$0x3F9F] =	sst s1;
	(tag) =	ssettag s2;
	_ =	strace s9  }
0x27: {  	s1 =	sld [smem:$0x3FAF]  }
0x28: {  	s2 =	sld [smem:$0x3FB0]  }
0x29: {  	s4 =	sld [smem:$0x3FB2]  }
0x2a: {  	p0 =	seq.s32 s5, $0x0;
	s5 =	sld [smem:$0x3FB3]  }
0x2b: {  	s6 =	sld [smem:$0x3FB4]  }
0x2c: {  	s7 =	sld [smem:$0x3FB5]  }
0x2d: {  	s3 =	simm.s32 $0x108;
	s8 =	sld [smem:$0x3FB6]  }
0x2e: {  	s3 =	simm.s32 @!p0 $0x1082;
	s9 =	sld [smem:$0x3FB7]  }
0x2f: {  	lr =	sadd.s32 s0, s3;
	s0 =	sld [smem:$0x3FAE]  }
0x30: {  	s3 =	sld [smem:$0x3FB1]  }
0x31: {  	[smem:$0x3FBA] =	sst s10  }
0x32: {  	s10 =	sld [smem:$0x3FB8];
	_ =	sdelay $0x3  }
0x33: {  	p0 =	seq.s32 s10, $0x1;
	s10 =	sld [smem:$0x3FBA];
	_ =	sdelay $0x3  }
0x34: {  	[smem:$0x3FBA] =	sst s10  }
0x35: {  	s10 =	sld [smem:$0x3FB9];
	_ =	sdelay $0x3  }
0x36: {  	p1 =	seq.s32 s10, $0x1;
	s10 =	sld [smem:$0x3FBA];
	_ =	sdelay $0x3  }
0x37: {  	[smem:$0x3FBA] =	sst s10  }
0x38: {  	s10 =	sld [smem:$0x3FBB]  }
0x39: {  	_ = 	snop;
	(pc) =	sbr.ind lr, $3  }
0x3a: {  	_ = 	snop  }
0x3b: {  	_ = 	snop  }
0x3c: {  	p2 =	seq.s32 s10, $0x1;
	s10 =	sld [smem:$0x3FBA]  }
0x3d: {  	_ =	shalt  }
0x3e: {  	_ =	shalt  }
0x3f: {  	_ =	shalt  }
0x40: {  	_ =	shalt  }
0x41: {  	_ =	shalt  }
0x42: {  	_ =	shalt  }
0x43: {  	_ =	shalt  }
0x44: {  	_ =	shalt  }
0x45: {  	_ =	shalt  }
0x46: {  	_ =	shalt  }
0x47: {  	_ =	shalt  }
0x48: {  	_ =	shalt  }
0x49: {  	_ =	shalt  }
0x4a: {  	_ =	shalt  }
0x4b: {  	_ =	shalt  }
0x4c: {  	_ =	shalt  }
0x4d: {  	_ =	shalt  }
0x4e: {  	_ =	shalt  }
0x4f: {  	_ =	shalt  }
0x50: {  	_ =	shalt  }
0x51: {  	_ =	shalt  }
0x52: {  	_ =	shalt  }
0x53: {  	_ =	shalt  }
0x54: {  	_ =	shalt  }
0x55: {  	_ =	shalt  }
0x56: {  	_ =	shalt  }
0x57: {  	_ =	shalt  }
0x58: {  	_ =	shalt  }
0x59: {  	_ =	shalt  }
0x5a: {  	_ =	shalt  }
0x5b: {  	_ =	shalt  }
0x5c: {  	_ =	shalt  }
0x5d: {  	_ =	shalt  }
0x5e: {  	_ =	shalt  }
0x5f: {  	_ =	shalt  }
0x60: {  	_ =	shalt  }
0x61: {  	_ =	shalt  }
0x62: {  	_ =	shalt  }
0x63: {  	_ =	shalt  }
0x64: {  	_ =	shalt  }
0x65: {  	_ =	shalt  }
0x66: {  	_ =	shalt  }
0x67: {  	_ =	shalt  }
0x68: {  	_ =	shalt  }
0x69: {  	_ =	shalt  }
0x6a: {  	_ =	shalt  }
0x6b: {  	_ =	shalt  }
0x6c: {  	_ =	shalt  }
0x6d: {  	_ =	shalt  }
0x6e: {  	_ =	shalt  }
0x6f: {  	_ =	shalt  }
0x70: {  	_ =	shalt  }
0x71: {  	_ =	shalt  }
0x72: {  	_ =	shalt  }
0x73: {  	_ =	shalt  }
0x74: {  	_ =	shalt  }
0x75: {  	_ =	shalt  }
0x76: {  	_ =	shalt  }
0x77: {  	_ =	shalt  }
0x78: {  	_ =	shalt  }
0x79: {  	_ =	shalt  }
0x7a: {  	_ =	shalt  }
0x7b: {  	_ =	shalt  }
0x7c: {  	_ =	shalt  }
0x7d: {  	_ =	shalt  }
0x7e: {  	_ =	shalt  }
0x7f: {  	_ =	shalt  }
0x80: {  	_ =	shalt  }
0x81: {  	_ =	shalt  }
0x82: {  	_ =	shalt  }
0x83: {  	_ =	shalt  }
0x84: {  	_ =	shalt  }
0x85: {  	_ =	shalt  }
0x86: {  	_ =	shalt  }
0x87: {  	_ =	shalt  }
.Lfunc_end0:
.L_simem_size_0:
called_computation_lowered:
.L_overlay_start_0:
0x88: {  	s2 =	sld [smem:$0x3FD9]  }
0x89: {  	s3 =	sld [smem:$0x3FFE];
	_ =	sdelay $0x1  }
0x8a: {  	s1 =	srdreg.scid  }
0x8b: {  	s0 =	sand.u32 $0x1, s1  }
0x8c: {  	s17 =	sshll.u32 s0, $0xA;
	s2 =	sadd.s32 s3, s2  }
0x8d: {  	s2 =	sadd.s32 s2, s17  }
0x8e: {  	[smem:$0x3FC6] =	sst s2  }
0x8f: {  	_ = 	snop  }
0x90: {  	s2 =	sld [smem:$0x3FD0];
	(tm) =	ssettm $0x1  }
0x91: {  	s18 =	sld [smem:$0x3FFB];
	_ =	sdelay $0x3  }
0x92: {  	_ =	strace s18  }
0x93: {  	s3 =	sld [smem:$0x3FFC];
	_ =	sdelay $0x3  }
0x94: {  	_ =	strace s3  }
0x95: {  	s3 =	sld [smem:$0x3FFD];
	_ =	sdelay $0x3  }
0x96: {  	_ =	strace s3  }
0x97: {  	_ =	strace $0x8FFFFFFF  }
0x98: {  	s19 =	sld [smem:$0x3FDB];
	_ =	sdelay $0x1  }
0x99: {  	s4 =	simm.s32 $_scs_section_size  }
0x9a: {  	s5 =	simm.s32 $_size__tile_overlayer_lowered;
	s6 =	simm.s32 $_tile_overlayer_lowered  }
0x9b: {  	s22 =	simm.s32 $0x1BFF;
	s21 =	sshll.u32 s6, $0x1;
	s3 =	sadd.s32 s4, s19  }
0x9c: {  	s7 =	simm.s32 $0x0;
	s20 =	sshll.u32 s5, $0x1;
	s5 =	sadd.s32 s21, s3  }
0x9d: {  	[timem:s7], [sflag:s22] =	dma.local [hbm:s5], s20  }
0x9e: {  	_ =	swait.ge [sflag:s22], s20  }
0x9f: {  	s4 =	ssub.s32 $0x0, s20;
	[sflag:s22] =	ssyncset.done $0x0  }
0xa0: {  	[sflag:s22] =	ssyncadd.s32 s4;
	_ =	sdelay $0x1  }
0xa1: {  	s23 =	simm.s32 $0x1B8B  }
0xa2: {  	_ =	swait.ge [sflag:s23], $0x1  }
0xa3: {  	[sflag:s23] =	ssyncset.done $0x0  }
0xa4: {  	s25 =	simm.s32 $0x1B8E;
	s24 =	sld [smem:$0x3FFE];
	[sflag:s23] =	ssyncadd.s32 $0xFFFFFFFF  }
0xa5: {  	s26 =	simm.s32 $execute0_lowered;
	[smem:$0x3FD2] =	sst s25  }
0xa6: {  	s5 =	sshll.u32 s26, $0x1;
	_ =	strace $0x80000046;
	[dreg:$0x1] =	wrdreg $0xFFFFFFFF  }
0xa7: {  	s28 =	simm.s32 $_size_execute0_lowered;
	s3 =	sadd.s32 s3, s5;
	[dreg:$0x0] =	wrdreg $0x0  }
0xa8: {  	s5 =	sshll.u32 s28, $0x1;
	[dreg:$0x2] =	wrdreg s3  }
0xa9: {  	[dreg:$0x3] =	wrdreg s5  }
0xaa: {  	[dreg:$0x4] =	wrdreg $0xC0  }
0xab: {  	_ =	task [dreg:s7], $0x5FFFF  }
0xac: {  	[dreg:$0x1] =	wrdreg $0xFFFFFFFF  }
0xad: {  	[dreg:$0x0] =	wrdreg $0x60  }
0xae: {  	[dreg:$0x2] =	wrdreg s24  }
0xaf: {  	[dreg:$0x3] =	wrdreg s2  }
0xb0: {  	[dreg:$0x4] =	wrdreg $0x9  }
0xb1: {  	_ =	task.clear_ibuf [dreg:s7], $0x5FFFF;
	_ =	strace $0x90000046  }
0xb2: {  	s29 =	simm.s32 $0x9;
	_ =	strace $0x80000048  }
0xb3: {  	_ =	swait.ge [sflag:s29], $0x1  }
0xb4: {  	[sflag:s29] =	ssyncadd.s32 $0xFFFFFFFF  }
0xb5: {  	_ =	strace $0x90000048  }
0xb6: {  	_ =	sfence  }
0xb7: {  	s30 =	sld [smem:$0x0];
	_ =	sdelay $0x2  }
0xb8: {  	s31 =	sshll.u32 s1, $0xD;
	s1 =	sshrl.u32 s1, $0x2  }
0xb9: {  	s3 =	sand.u32 $0x4000, s31;
	s1 =	sadd.s32 s1, s30  }
0xba: {  	s0 =	sor.u32 s3, s0;
	s1 =	sshll.u32 s1, $0x11  }
0xbb: {  	s0 =	sor.u32 s1, s0  }
0xbc: {  	s0 =	sadd.s32 $0x8F2B, s0  }
0xbd: {  	[sflag:s0] =	ssyncadd.remote.s32 $0x1  }
0xbe: {  	_ =	sfence.sel $0xFFFF  }
0xbf: {  	[dreg:$0x0] =	wrdreg $0xFFFFFFFF;
	(pc) =	sbr.abs _section_cstart, $3  }
0xc0: {  	[dreg:$0x1] =	wrdreg $0xFFFFFFFF  }
0xc1: {  	_ =	task.clear_ibuf [dreg:s7], $0x2FFFF;
	_ =	strace $0x9FFFFFFF  }
0xc2: {  	(tm) =	ssettm $0x7FFFFFFF  }
0xc3: {  	_ =	shalt  }
tec
execute0_lowered:
.L_overlay_start_1:
0x0: {  	(tag) =	ssettag $0x1  }
0x1: {  	s0 =	srdreg.scid;
	s2 =	stileid.u32  }
0x2: {  	s1 =	rddreg [dreg:$0x0];
	s18 =	simm.s32 $0x4;
	s19 =	simm.s32 $0x80  }
0x3: {  	s28 =	simm.s32 $0x100;
	s29 =	simm.s32 $0x2800;
	s30 =	simm.s32 $0x180  }
0x4: {  	s31 =	simm.s32 $0x1;
	s0 =	sand.u32 $0x1, s0;
	s3 =	sshll.u32 s2, $0x1  }
0x5: {  	s14 =	simm.s32 $0x2;
	s15 =	simm.s32 $0x3;
	s5 =	sor.u32 s0, s3  }
0x6: {  	s17 =	simm.s32 $0x0;
	s2 =	rddreg [dreg:$0x1];
	s6 =	smul.u32 $0x6400, s5  }
0x7: {  	v0 =	vimm.s32 $0x2380;
	vm0 =	vcmask $0x300;
	v1 =	vimm.s32 $0x6380;
	s4 =	sadd.s32 $0x600, s1;
	s3 =	simm.s32 $0x0;
	s7 =	smul.u32 $0x2400, s5  }
0x8: {  	vm1 =	vcmask $0x704;
	v0 =	vsel vm0, $0x0, v0;
	v1 =	vsel vm0, $0x4000, v1;
	s0 =	ssub.s32 $0x2, s0;
	s9 =	sadd.s32 $0x8000, s2;
	s10 =	sadd.s32 $0xC000, s2  }
0x9: {  	vm15 =	vcmask $0xB08;
	v0 =	vsel vm1, $0x80, v0;
	v1 =	vsel vm1, $0x4080, v1;
	[smem:$0x7FF] =	sst s3;
	s6 =	sand.u32 $0xFC000, s6;
	s7 =	sand.u32 $0x3C00, s7  }
0xa: {  	vm4 =	vcmask $0xF0C;
	s8 =	sshrl.u32 s0, $0x1;
	s5 =	smul.u32 $0x19, s5;
	v0 =	vsel vm15, $0x100, v0;
	v1 =	vsel vm15, $0x4100, v1;
	s7 =	sor.u32 s7, s6  }
0xb: {  	vm5 =	vcmask $0x1310;
	_ =	strace $0x80000047;
	s0 =	ssub.s32 s0, s8;
	v0 =	vsel vm4, $0x180, v0;
	v1 =	vsel vm4, $0x4180, v1;
	s22 =	sshrl.u32 s7, $0x3  }
0xc: {  	vm6 =	vcmask $0x1714;
	s23 =	sadd.s32 $0x18, s5;
	v0 =	vsel vm5, $0x200, v0;
	v1 =	vsel vm5, $0x4200, v1;
	s6 =	sadd.s32 $0xF42A00, s1;
	s1 =	sadd.s32 s4, s22  }
0xd: {  	vm7 =	vcmask $0x1B18;
	s24 =	sshrl.u32 s23, $0x4;
	v0 =	vsel vm6, $0x280, v0;
	v1 =	vsel vm6, $0x4280, v1;
	[dreg:$0x3] =	wrdreg s1;
	s1 =	sand.u32 $0xF, s23  }
0xe: {  	vm8 =	vcmask $0x1F1C;
	s0 =	smax.u32 s0, $0x1;
	s12 =	sshll.u32 s24, $0xB;
	v0 =	vsel vm7, $0x300, v0;
	v1 =	vsel vm7, $0x4300, v1;
	s11 =	sshll.u32 s1, $0x7  }
0xf: {  	vm9 =	vcmask $0x2320;
	s7 =	sshll.u32 s24, $0x10;
	v0 =	vsel vm8, $0x380, v0;
	v1 =	vsel vm8, $0x4380, v1;
	s1 =	sshll.u32 s1, $0xA;
	s13 =	sadd.s32 s4, s11  }
0x10: {  	vm10 =	vcmask $0x2724;
	[dreg:$0x9] =	wrdreg s0;
	v0 =	vsel vm9, $0x2000, v0;
	v1 =	vsel vm9, $0x6000, v1;
	s1 =	sor.u32 s1, s7;
	s12 =	sadd.s32 s12, s13  }
0x11: {  	vm11 =	vcmask $0x2B28;
	s8 =	sadd.s32 $0x4000, s2;
	v0 =	vsel vm10, $0x2080, v0;
	v1 =	vsel vm10, $0x6080, v1;
	s7 =	sadd.s32 s2, s1;
	[dreg:$0x4] =	wrdreg s12  }
0x12: {  	vm12 =	vcmask $0x2F2C;
	s0 =	simm.s32 $0x12800;
	v0 =	vsel vm11, $0x2100, v0;
	v1 =	vsel vm11, $0x6100, v1;
	s25 =	sadd.s32 s1, s8;
	[dreg:$0x5] =	wrdreg s7  }
0x13: {  	vm13 =	vcmask $0x3330;
	s11 =	sadd.s32 $0x2, s5;
	s26 =	sadd.s32 s1, s9;
	v0 =	vsel vm12, $0x2180, v0;
	v1 =	vsel vm12, $0x6180, v1;
	[dreg:$0x6] =	wrdreg s25  }
0x14: {  	vm14 =	vcmask $0x3734;
	s1 =	sadd.s32 s1, s10;
	s13 =	simm.s32 $0x16800;
	[dreg:$0x7] =	wrdreg s26;
	v0 =	vsel vm13, $0x2200, v0;
	v1 =	vsel vm13, $0x6200, v1  }
0x15: {  	vm15 =	vcmask $0x3B38;
	[dreg:$0x8] =	wrdreg s1;
	s25 =	simm.s32 $0x800;
	s26 =	simm.s32 $0x1800;
	v0 =	vsel vm14, $0x2280, v0;
	v1 =	vsel vm14, $0x6280, v1  }
0x16: {  	s12 =	simm.s32 $0x400;
	s1 =	simm.s32 $0x10800;
	s7 =	simm.s32 $0x14800;
	v0 =	vsel vm15, $0x2300, v0;
	v1 =	vsel vm15, $0x6300, v1  }
.LBB2_1:
0x17: {  	[dreg:$0xa] =	wrdreg s17  }
0x18: {  	s16 =	rddreg [dreg:$0x3]  }
0x19: {  	[tilespmem:s3], [sflag:$0x4] =	stream.linear.gather [hbm4b:s16+s3], $0x400, $0x38;
	[tilespmem:$0x18800] =	vst v63  }
0x1a: {  	_ =	swait.ge [sflag:s18], $0x400  }
0x1b: {  	[sflag:s18] =	ssyncset.done $0x0  }
0x1c: {  	[sflag:s18] =	ssyncadd.s32 $0xFFFFFC00  }
0x1d: {  	[tilespmem:s25], [sflag:$0x1] =	stream.indirect.gather [hbm4b:s6+s19], $0x20, s3, s19, $0xb8;
	[tilespmem:$0x18800] =	vst v63  }
0x1e: {  	_ = 	snop  }
0x1f: {  	[tilespmem:s26], [sflag:$0x1] =	stream.indirect.gather [hbm4b:s6+s19], $0x20, s19, s19, $0xb8;
	[tilespmem:$0x18800] =	vst v63  }
0x20: {  	_ = 	snop  }
0x21: {  	[tilespmem:s29], [sflag:$0x1] =	stream.indirect.gather [hbm4b:s6+s19], $0x20, s28, s19, $0xb8;
	[tilespmem:$0x18800] =	vst v63  }
0x22: {  	s21 =	simm.s32 $0x3800  }
0x23: {  	[tilespmem:s21], [sflag:$0x1] =	stream.indirect.gather [hbm4b:s6+s19], $0x20, s30, s19, $0xb8;
	[tilespmem:$0x18800] =	vst v63  }
0x24: {  	s22 =	simm.s32 $0x200;
	s23 =	simm.s32 $0x4800  }
0x25: {  	[tilespmem:s23], [sflag:$0x1] =	stream.indirect.gather [hbm4b:s6+s19], $0x20, s22, s19, $0xb8;
	[tilespmem:$0x18800] =	vst v63  }
0x26: {  	s24 =	simm.s32 $0x280;
	s25 =	simm.s32 $0x5800  }
0x27: {  	[tilespmem:s25], [sflag:$0x1] =	stream.indirect.gather [hbm4b:s6+s19], $0x20, s24, s19, $0xb8;
	[tilespmem:$0x18800] =	vst v63  }
0x28: {  	s26 =	simm.s32 $0x300;
	s28 =	simm.s32 $0x6800  }
0x29: {  	[tilespmem:s28], [sflag:$0x1] =	stream.indirect.gather [hbm4b:s6+s19], $0x20, s26, s19, $0xb8;
	[tilespmem:$0x18800] =	vst v63  }
0x2a: {  	s20 =	simm.s32 $0x0;
	s29 =	simm.s32 $0x380;
	s30 =	simm.s32 $0x7800  }
0x2b: {  	[tilespmem:s30], [sflag:$0x1] =	stream.indirect.gather [hbm4b:s6+s19], $0x20, s29, s19, $0xb8;
	[tilespmem:$0x18800] =	vst v63  }
.LBB2_2:
0x2c: {  	s17 =	sshll.u32 s20, $0x1  }
0x2d: {  	s22 =	sadd.s32 s5, s17  }
0x2e: {  	s16 =	sadd.s32 $0x1, s22  }
0x2f: {  	s21 =	sand.u32 $0xF, s16  }
0x30: {  	s16 =	sshrl.u32 s16, $0x4;
	s23 =	sshll.u32 s21, $0x7  }
0x31: {  	s24 =	sshll.u32 s16, $0xB;
	s23 =	sadd.s32 s4, s23  }
0x32: {  	s23 =	sadd.s32 s24, s23  }
0x33: {  	[tilespmem:s12], [sflag:$0x4] =	stream.linear.gather [hbm4b:s23+s3], $0x400, $0x38;
	[tilespmem:$0x18800] =	vst v63  }
0x34: {  	_ =	swait.ge [sflag:s18], $0x400  }
0x35: {  	[sflag:s18] =	ssyncset.done $0x0  }
0x36: {  	s25 =	simm.s32 $0x8800;
	[sflag:s18] =	ssyncadd.s32 $0xFFFFFC00  }
0x37: {  	[tilespmem:s25], [sflag:$0x2] =	stream.indirect.gather [hbm4b:s6+s19], $0x20, s12, s19, $0xb8;
	[tilespmem:$0x18800] =	vst v63  }
0x38: {  	s26 =	simm.s32 $0x480;
	s28 =	simm.s32 $0x9800  }
0x39: {  	[tilespmem:s28], [sflag:$0x2] =	stream.indirect.gather [hbm4b:s6+s19], $0x20, s26, s19, $0xb8;
	[tilespmem:$0x18800] =	vst v63  }
0x3a: {  	s29 =	simm.s32 $0x500;
	s30 =	simm.s32 $0xA800  }
0x3b: {  	[tilespmem:s30], [sflag:$0x2] =	stream.indirect.gather [hbm4b:s6+s19], $0x20, s29, s19, $0xb8;
	[tilespmem:$0x18800] =	vst v63  }
0x3c: {  	s24 =	simm.s32 $0x580;
	s25 =	simm.s32 $0xB800  }
0x3d: {  	[tilespmem:s25], [sflag:$0x2] =	stream.indirect.gather [hbm4b:s6+s19], $0x20, s24, s19, $0xb8;
	[tilespmem:$0x18800] =	vst v63  }
0x3e: {  	s26 =	simm.s32 $0x600;
	s28 =	simm.s32 $0xC800  }
0x3f: {  	[tilespmem:s28], [sflag:$0x2] =	stream.indirect.gather [hbm4b:s6+s19], $0x20, s26, s19, $0xb8;
	[tilespmem:$0x18800] =	vst v63  }
0x40: {  	s29 =	simm.s32 $0x680;
	s30 =	simm.s32 $0xD800  }
0x41: {  	[tilespmem:s30], [sflag:$0x2] =	stream.indirect.gather [hbm4b:s6+s19], $0x20, s29, s19, $0xb8;
	[tilespmem:$0x18800] =	vst v63  }
0x42: {  	s25 =	simm.s32 $0x700;
	s26 =	simm.s32 $0xE800  }
0x43: {  	[tilespmem:s26], [sflag:$0x2] =	stream.indirect.gather [hbm4b:s6+s19], $0x20, s25, s19, $0xb8;
	[tilespmem:$0x18800] =	vst v63  }
0x44: {  	s28 =	simm.s32 $0x780;
	s29 =	simm.s32 $0xF800  }
0x45: {  	[tilespmem:s29], [sflag:$0x2] =	stream.indirect.gather [hbm4b:s6+s19], $0x20, s28, s19, $0xb8;
	[tilespmem:$0x18800] =	vst v63  }
0x46: {  	_ =	swait.ge [sflag:s31], $0x8000  }
0x47: {  	p0 =	seq.s32 s20, $0x0;
	[sflag:s31] =	ssyncset.done $0x0  }
0x48: {  	s23 =	simm.s32 @!p0 $0x3;
	[sflag:s31] =	ssyncadd.s32 $0xFFFF8000  }
0x49: {  	_ =	swait.ge @!p0 [sflag:s23], $0x8000  }
0x4a: {  	[sflag:s23] =	ssyncset.done @!p0 $0x0  }
0x4b: {  	s30 =	simm.s32 $0x840;
	[sflag:s23] =	ssyncadd.s32 @!p0 $0xFFFF8000  }
0x4c: {  	s28 =	simm.s32 $0x0;
	v19 =	vld [tilespmem:s30+$0xFFFFFFD0]  }
0x4d: {  	s25 =	simm.s32 $0x0;
	s23 =	sand.u32 $0xFFFFFC00, s28;
	v5 =	vld [tilespmem:s30+$0x30]  }
0x4e: {  	s26 =	simm.s32 $0x1;
	s25 =	sand.u32 $0x7C, s25;
	v2 =	vor.u32 s23, v0;
	v10 =	vld [tilespmem:s30+$0xFFFFFFF0]  }
0x4f: {  	s26 =	sand.u32 $0x7D, s26;
	s28 =	simm.s32 $0x2;
	v4 =	vld [tilespmem:s30+$0xFFFFFFC0];
	v6 =	vor.u32 s25, v2  }
0x50: {  	s29 =	simm.s32 $0x3;
	v8 =	vld [tilespmem:s30+$0xFFFFFFE0];
	s28 =	sand.u32 $0x7E, s28;
	v7 =	vor.u32 s26, v2  }
0x51: {  	s29 =	sand.u32 $0x7F, s29;
	v9 =	vld [tilespmem:s30+$0x0];
	v11 =	vor.u32 s28, v2  }
0x52: {  	v12 =	vor.u32 s23, v1;
	v13 =	vld [tilespmem:s30+$0x20];
	s23 =	simm.s32 $0x8C0;
	v14 =	vor.u32 s29, v2  }
0x53: {  	v15 =	vor.u32 s29, v12;
	v2 =	vld [tilespmem:s23+$0xFFFFFFD0]  }
0x54: {  	v16 =	vor.u32 s26, v12;
	v3 =	vld [tilespmem:s23+$0x30];
	s29 =	simm.s32 $0x20;
	[tilespmem:v6+s1+$0x0] =	vst.idx.msk $0xffff, v4  }
0x55: {  	s24 =	simm.s32 $0x4;
	v20 =	vor.u32 s25, v12;
	s25 =	sand.u32 $0xFFFFFC00, s29;
	[tilespmem:v7+s1+$0x0] =	vst.idx.msk $0xffff, v8;
	v8 =	vld [tilespmem:s30+$0x10]  }
0x56: {  	s29 =	sand.u32 $0x7C, s24;
	v17 =	vor.u32 s25, v0;
	s30 =	simm.s32 $0x5;
	v6 =	vld [tilespmem:s23+$0xFFFFFFF0];
	[tilespmem:v11+s1+$0x0] =	vst.idx.msk $0xffff, v9;
	v7 =	vor.u32 s28, v12  }
0x57: {  	v21 =	vor.u32 s25, v1;
	s25 =	simm.s32 $0x6;
	v9 =	vld [tilespmem:s23+$0xFFFFFFC0];
	[tilespmem:v14+s1+$0x0] =	vst.idx.msk $0xffff, v13;
	v12 =	vor.u32 s29, v17;
	s26 =	sand.u32 $0x7D, s30  }
0x58: {  	s25 =	sand.u32 $0x7E, s25;
	v13 =	vld [tilespmem:s23+$0xFFFFFFE0];
	s30 =	simm.s32 $0x7;
	[tilespmem:v15+s1+$0x0] =	vst.idx.msk $0xffff, v5;
	v11 =	vor.u32 s26, v17  }
0x59: {  	v18 =	vor.u32 s25, v21;
	v14 =	vld [tilespmem:s23+$0x0];
	v15 =	vor.u32 s25, v17;
	[tilespmem:v16+s1+$0x0] =	vst.idx.msk $0xffff, v10;
	v4 =	vor.u32 s26, v21;
	s26 =	sand.u32 $0x7F, s30  }
0x5a: {  	v5 =	vor.u32 s29, v21;
	v16 =	vld [tilespmem:s23+$0x20];
	s25 =	simm.s32 $0x940;
	[tilespmem:v20+s1+$0x0] =	vst.idx.msk $0xffff, v19;
	v10 =	vor.u32 s26, v21;
	v17 =	vor.u32 s26, v17  }
.LBB2_3:
0x5b: {  	v19 =	vld [tilespmem:s25+$0xFFFFFFD0];
	s26 =	sadd.s32 $0x5, s24;
	[tilespmem:v7+s1+$0x0] =	vst.idx.msk $0xffff, v8;
	v20 =	vmov v6;
	v7 =	vmov v18;
	s28 =	smov.u32 s24;
	s24 =	sadd.s32 $0x4, s24  }
0x5c: {  	s29 =	sand.u32 $0x7C, s24;
	s30 =	sshll.u32 s24, $0x3;
	s26 =	sand.u32 $0x7D, s26;
	v21 =	vld [tilespmem:s25+$0x30];
	[tilespmem:v12+s1+$0x0] =	vst.idx.msk $0xffff, v9  }
0x5d: {  	p0 =	slt.u32 s24, $0x3FC;
	s30 =	sand.u32 $0xFFFFFC00, s30;
	[tilespmem:v11+s1+$0x0] =	vst.idx.msk $0xffff, v13;
	v8 =	vld [tilespmem:s23+$0x10];
	s23 =	smov.u32 s25  }
.Ltmp0:
0x5e: {  	v22 =	vor.u32 s30, v0;
	v18 =	vor.u32 s30, v1;
	v6 =	vld [tilespmem:s25+$0xFFFFFFF0];
	s30 =	sadd.s32 $0x7, s28;
	[tilespmem:v15+s1+$0x0] =	vst.idx.msk $0xffff, v14;
	(pc) =	sbr.rel @p0 .LBB2_3-.Ltmp0, $4  }
0x5f: {  	v9 =	vld [tilespmem:s25+$0xFFFFFFC0];
	v12 =	vor.u32 s29, v22;
	v11 =	vor.u32 s26, v22;
	v23 =	vor.u32 s26, v18;
	s26 =	sadd.s32 $0x6, s28;
	s28 =	sand.u32 $0x7F, s30;
	[tilespmem:v17+s1+$0x0] =	vst.idx.msk $0xffff, v16  }
0x60: {  	v24 =	vor.u32 s29, v18;
	v13 =	vld [tilespmem:s25+$0xFFFFFFE0];
	s26 =	sand.u32 $0x7E, s26;
	[tilespmem:v10+s1+$0x0] =	vst.idx.msk $0xffff, v3;
	v10 =	vor.u32 s28, v18  }
0x61: {  	v14 =	vld [tilespmem:s25+$0x0];
	v15 =	vor.u32 s26, v22;
	v18 =	vor.u32 s26, v18;
	[tilespmem:v4+s1+$0x0] =	vst.idx.msk $0xffff, v20;
	v3 =	vmovc v21;
	v4 =	vmov v23  }
0x62: {  	v17 =	vor.u32 s28, v22;
	s25 =	sadd.s32 $0x80, s25;
	v16 =	vld [tilespmem:s23+$0x20];
	[tilespmem:v5+s1+$0x0] =	vst.idx.msk $0xffff, v2;
	v2 =	vmov v19;
	v5 =	vmov v24  }
0x63: {  	_ =	sdelay $0x3  }
0x64: {  	[tilespmem:v7+s1+$0x0] =	vst.idx.msk $0xffff, v8  }
0x65: {  	[tilespmem:v12+s1+$0x0] =	vst.idx.msk $0xffff, v9  }
0x66: {  	[tilespmem:v11+s1+$0x0] =	vst.idx.msk $0xffff, v13  }
0x67: {  	v7 =	vld [tilespmem:s23+$0x10];
	[tilespmem:v5+s1+$0x0] =	vst.idx.msk $0xffff, v2  }
0x68: {  	[tilespmem:v15+s1+$0x0] =	vst.idx.msk $0xffff, v14  }
0x69: {  	s30 =	sshll.u32 s22, $0xA;
	s24 =	sshll.u32 s22, $0xC;
	[tilespmem:v4+s1+$0x0] =	vst.idx.msk $0xffff, v6  }
0x6a: {  	s23 =	sand.u32 $0x3C00, s30;
	s22 =	sand.u32 $0xFFF0000, s24;
	[tilespmem:v17+s1+$0x0] =	vst.idx.msk $0xffff, v16  }
0x6b: {  	s22 =	sor.u32 s23, s22;
	[tilespmem:v10+s1+$0x0] =	vst.idx.msk $0xffff, v3  }
0x6c: {  	p0 =	seq.s32 s20, $0xB;
	s23 =	sadd.s32 s2, s22;
	[tilespmem:v18+s1+$0x0] =	vst.idx.msk $0xffff, v7  }
0x6d: {  	[hbm4b:s23+s3] =	stream.linear.scatter [tilespmem:s1], [sflag:$0x3], $0x2000, $0x38;
	[tilespmem:$0x18800] =	vst v63  }
0x6e: {  	s17 =	sadd.s32 @!p0 s17, s11;
	s25 =	sadd.s32 s22, s8  }
0x6f: {  	[hbm4b:s25+s3] =	stream.linear.scatter [tilespmem:s0], [sflag:$0x3], $0x2000, $0x38;
	[tilespmem:$0x18800] =	vst v63  }
0x70: {  	s17 =	sshll.u32 @!p0 s17, $0x7;
	s26 =	sadd.s32 s22, s9  }
0x71: {  	[hbm4b:s26+s3] =	stream.linear.scatter [tilespmem:s7], [sflag:$0x3], $0x2000, $0x38;
	[tilespmem:$0x18800] =	vst v63  }
0x72: {  	s22 =	sadd.s32 s22, s10;
	s17 =	sand.u32 @!p0 $0xFFFFF80, s17  }
0x73: {  	[hbm4b:s22+s3] =	stream.linear.scatter [tilespmem:s13], [sflag:$0x3], $0x2000, $0x38;
	[tilespmem:$0x18800] =	vst v63  }
0x74: {  	s17 =	sadd.s32 @!p0 s4, s17;
	s22 =	simm.s32 @!p0 $0x0  }
0x75: {  	[tilespmem:s22], [sflag:$0x4] =	stream.linear.gather @!p0 [hbm4b:s17+s22], $0x400, $0x38;
	[tilespmem:$0x18800] =	vst v63  }
0x76: {  	s17 =	simm.s32 @!p0 $0x4  }
0x77: {  	_ =	swait.ge @!p0 [sflag:s17], $0x400  }
0x78: {  	[sflag:s17] =	ssyncset.done @!p0 $0x0  }
0x79: {  	s23 =	simm.s32 @!p0 $0x800;
	[sflag:s17] =	ssyncadd.s32 @!p0 $0xFFFFFC00;
	s17 =	simm.s32 @!p0 $0x80  }
0x7a: {  	[tilespmem:s23], [sflag:$0x1] =	stream.indirect.gather @!p0 [hbm4b:s6+s17], $0x20, s22, s17, $0xb8;
	[tilespmem:$0x18800] =	vst v63  }
0x7b: {  	s22 =	simm.s32 @!p0 $0x1800  }
0x7c: {  	[tilespmem:s22], [sflag:$0x1] =	stream.indirect.gather @!p0 [hbm4b:s6+s17], $0x20, s17, s17, $0xb8;
	[tilespmem:$0x18800] =	vst v63  }
0x7d: {  	s23 =	simm.s32 @!p0 $0x2800;
	s22 =	simm.s32 @!p0 $0x100  }
0x7e: {  	[tilespmem:s23], [sflag:$0x1] =	stream.indirect.gather @!p0 [hbm4b:s6+s17], $0x20, s22, s17, $0xb8;
	[tilespmem:$0x18800] =	vst v63  }
0x7f: {  	s22 =	simm.s32 @!p0 $0x180;
	s23 =	simm.s32 @!p0 $0x3800  }
0x80: {  	[tilespmem:s23], [sflag:$0x1] =	stream.indirect.gather @!p0 [hbm4b:s6+s17], $0x20, s22, s17, $0xb8;
	[tilespmem:$0x18800] =	vst v63  }
0x81: {  	s22 =	simm.s32 @!p0 $0x200;
	s23 =	simm.s32 @!p0 $0x4800  }
0x82: {  	[tilespmem:s23], [sflag:$0x1] =	stream.indirect.gather @!p0 [hbm4b:s6+s17], $0x20, s22, s17, $0xb8;
	[tilespmem:$0x18800] =	vst v63  }
0x83: {  	s22 =	simm.s32 @!p0 $0x280;
	s23 =	simm.s32 @!p0 $0x5800  }
0x84: {  	[tilespmem:s23], [sflag:$0x1] =	stream.indirect.gather @!p0 [hbm4b:s6+s17], $0x20, s22, s17, $0xb8;
	[tilespmem:$0x18800] =	vst v63  }
0x85: {  	s22 =	simm.s32 @!p0 $0x300;
	s23 =	simm.s32 @!p0 $0x6800  }
0x86: {  	[tilespmem:s23], [sflag:$0x1] =	stream.indirect.gather @!p0 [hbm4b:s6+s17], $0x20, s22, s17, $0xb8;
	[tilespmem:$0x18800] =	vst v63  }
0x87: {  	s22 =	simm.s32 @!p0 $0x380;
	s23 =	simm.s32 @!p0 $0x7800  }
0x88: {  	[tilespmem:s23], [sflag:$0x1] =	stream.indirect.gather @!p0 [hbm4b:s6+s17], $0x20, s22, s17, $0xb8;
	[tilespmem:$0x18800] =	vst v63  }
0x89: {  	_ =	swait.ge [sflag:s14], $0x8000  }
0x8a: {  	[sflag:s14] =	ssyncset.done $0x0  }
0x8b: {  	[sflag:s14] =	ssyncadd.s32 $0xFFFF8000  }
0x8c: {  	_ =	swait.ge [sflag:s15], $0x8000  }
0x8d: {  	[sflag:s15] =	ssyncset.done $0x0  }
0x8e: {  	s28 =	simm.s32 $0x8840;
	[sflag:s15] =	ssyncadd.s32 $0xFFFF8000  }
0x8f: {  	s29 =	simm.s32 $0x0;
	v19 =	vld [tilespmem:s28+$0xFFFFFFD0]  }
0x90: {  	s30 =	simm.s32 $0x0;
	s17 =	sand.u32 $0xFFFFFC00, s29;
	v5 =	vld [tilespmem:s28+$0x30]  }
0x91: {  	s24 =	simm.s32 $0x1;
	s23 =	sand.u32 $0x7C, s30;
	v2 =	vor.u32 s17, v0;
	v15 =	vld [tilespmem:s28+$0xFFFFFFF0]  }
0x92: {  	s24 =	sand.u32 $0x7D, s24;
	s25 =	simm.s32 $0x2;
	v6 =	vor.u32 s23, v2;
	v4 =	vld [tilespmem:s28+$0xFFFFFFC0]  }
0x93: {  	s25 =	sand.u32 $0x7E, s25;
	s26 =	simm.s32 $0x3;
	v7 =	vor.u32 s24, v2;
	v8 =	vld [tilespmem:s28+$0xFFFFFFE0]  }
0x94: {  	s26 =	sand.u32 $0x7F, s26;
	v10 =	vor.u32 s25, v2;
	v9 =	vld [tilespmem:s28+$0x0]  }
0x95: {  	v11 =	vor.u32 s17, v1;
	s17 =	simm.s32 $0x88C0;
	v13 =	vor.u32 s26, v2;
	v12 =	vld [tilespmem:s28+$0x20]  }
0x96: {  	v14 =	vor.u32 s26, v11;
	v2 =	vld [tilespmem:s17+$0xFFFFFFD0]  }
0x97: {  	v16 =	vor.u32 s24, v11;
	s24 =	simm.s32 $0x20;
	v3 =	vld [tilespmem:s17+$0x30];
	[tilespmem:v6+s1+$0x0] =	vst.idx.msk $0xffff, v4  }
0x98: {  	s22 =	simm.s32 $0x4;
	v20 =	vor.u32 s23, v11;
	s23 =	sand.u32 $0xFFFFFC00, s24;
	[tilespmem:v7+s1+$0x0] =	vst.idx.msk $0xffff, v8;
	v7 =	vld [tilespmem:s28+$0x10]  }
0x99: {  	s29 =	sand.u32 $0x7C, s22;
	s26 =	simm.s32 $0x5;
	v17 =	vor.u32 s23, v0;
	v8 =	vld [tilespmem:s17+$0xFFFFFFF0];
	[tilespmem:v10+s1+$0x0] =	vst.idx.msk $0xffff, v9;
	v6 =	vor.u32 s25, v11  }
0x9a: {  	s30 =	simm.s32 $0x6;
	s24 =	sand.u32 $0x7D, s26;
	v18 =	vor.u32 s23, v1;
	v10 =	vld [tilespmem:s17+$0xFFFFFFC0];
	[tilespmem:v13+s1+$0x0] =	vst.idx.msk $0xffff, v12;
	v12 =	vor.u32 s29, v17  }
0x9b: {  	s28 =	simm.s32 $0x7;
	v11 =	vor.u32 s24, v17;
	v4 =	vor.u32 s24, v18;
	v13 =	vld [tilespmem:s17+$0xFFFFFFE0];
	s24 =	sand.u32 $0x7E, s30;
	[tilespmem:v14+s1+$0x0] =	vst.idx.msk $0xffff, v5  }
0x9c: {  	s23 =	sand.u32 $0x7F, s28;
	v5 =	vor.u32 s29, v18;
	v14 =	vld [tilespmem:s17+$0x0];
	[tilespmem:v16+s1+$0x0] =	vst.idx.msk $0xffff, v15;
	v16 =	vor.u32 s24, v17  }
0x9d: {  	v15 =	vld [tilespmem:s17+$0x20];
	[tilespmem:v20+s1+$0x0] =	vst.idx.msk $0xffff, v19;
	v9 =	vor.u32 s23, v18;
	v18 =	vor.u32 s24, v18;
	v17 =	vor.u32 s23, v17;
	s23 =	simm.s32 $0x8940  }
.LBB2_5:
0x9e: {  	v19 =	vld [tilespmem:s23+$0xFFFFFFD0];
	s24 =	sadd.s32 $0x5, s22;
	[tilespmem:v6+s1+$0x0] =	vst.idx.msk $0xffff, v7;
	v20 =	vmov v8;
	v6 =	vmov v18;
	s25 =	smov.u32 s22;
	s22 =	sadd.s32 $0x4, s22  }
0x9f: {  	s26 =	sand.u32 $0x7C, s22;
	s28 =	sshll.u32 s22, $0x3;
	s24 =	sand.u32 $0x7D, s24;
	v21 =	vld [tilespmem:s23+$0x30];
	[tilespmem:v12+s1+$0x0] =	vst.idx.msk $0xffff, v10  }
0xa0: {  	p0 =	slt.u32 s22, $0x3FC;
	s28 =	sand.u32 $0xFFFFFC00, s28;
	[tilespmem:v11+s1+$0x0] =	vst.idx.msk $0xffff, v13;
	v7 =	vld [tilespmem:s17+$0x10];
	s17 =	smov.u32 s23  }
.Ltmp1:
0xa1: {  	v22 =	vor.u32 s28, v0;
	v18 =	vor.u32 s28, v1;
	v8 =	vld [tilespmem:s23+$0xFFFFFFF0];
	s28 =	sadd.s32 $0x7, s25;
	[tilespmem:v16+s1+$0x0] =	vst.idx.msk $0xffff, v14;
	(pc) =	sbr.rel @p0 .LBB2_5-.Ltmp1, $4  }
0xa2: {  	v10 =	vld [tilespmem:s23+$0xFFFFFFC0];
	v12 =	vor.u32 s26, v22;
	v11 =	vor.u32 s24, v22;
	v23 =	vor.u32 s24, v18;
	s24 =	sadd.s32 $0x6, s25;
	s25 =	sand.u32 $0x7F, s28;
	[tilespmem:v17+s1+$0x0] =	vst.idx.msk $0xffff, v15  }
0xa3: {  	v24 =	vor.u32 s26, v18;
	v13 =	vld [tilespmem:s23+$0xFFFFFFE0];
	s24 =	sand.u32 $0x7E, s24;
	[tilespmem:v9+s1+$0x0] =	vst.idx.msk $0xffff, v3;
	v9 =	vor.u32 s25, v18  }
0xa4: {  	v14 =	vld [tilespmem:s23+$0x0];
	v16 =	vor.u32 s24, v22;
	v18 =	vor.u32 s24, v18;
	[tilespmem:v4+s1+$0x0] =	vst.idx.msk $0xffff, v20;
	v3 =	vmovc v21;
	v4 =	vmov v23  }
0xa5: {  	v17 =	vor.u32 s25, v22;
	s23 =	sadd.s32 $0x80, s23;
	v15 =	vld [tilespmem:s17+$0x20];
	[tilespmem:v5+s1+$0x0] =	vst.idx.msk $0xffff, v2;
	v2 =	vmov v19;
	v5 =	vmov v24  }
0xa6: {  	_ =	sdelay $0x3  }
0xa7: {  	[tilespmem:v6+s1+$0x0] =	vst.idx.msk $0xffff, v7  }
0xa8: {  	[tilespmem:v12+s1+$0x0] =	vst.idx.msk $0xffff, v10  }
0xa9: {  	[tilespmem:v11+s1+$0x0] =	vst.idx.msk $0xffff, v13  }
0xaa: {  	v63 =	vld [tilespmem:s17+$0x10];
	[tilespmem:v5+s1+$0x0] =	vst.idx.msk $0xffff, v2  }
0xab: {  	[tilespmem:v16+s1+$0x0] =	vst.idx.msk $0xffff, v14  }
0xac: {  	[tilespmem:v4+s1+$0x0] =	vst.idx.msk $0xffff, v8  }
0xad: {  	s16 =	sshll.u32 s16, $0x10;
	s28 =	sshll.u32 s21, $0xA;
	[tilespmem:v17+s1+$0x0] =	vst.idx.msk $0xffff, v15  }
0xae: {  	s16 =	sor.u32 s28, s16;
	[tilespmem:v9+s1+$0x0] =	vst.idx.msk $0xffff, v3  }
0xaf: {  	s20 =	sadd.s32 $0x1, s20;
	s17 =	sadd.s32 s2, s16;
	[tilespmem:v18+s1+$0x0] =	vst.idx.msk $0xffff, v63  }
0xb0: {  	[hbm4b:s17+s3] =	stream.linear.scatter [tilespmem:s1], [sflag:$0x3], $0x2000, $0x38;
	[tilespmem:$0x18800] =	vst v63  }
0xb1: {  	p0 =	sne.s32 s20, $0xC;
	s29 =	sadd.s32 s16, s8  }
0xb2: {  	[hbm4b:s29+s3] =	stream.linear.scatter [tilespmem:s0], [sflag:$0x3], $0x2000, $0x38;
	[tilespmem:$0x18800] =	vst v63  }
.Ltmp2:
0xb3: {  	_ = 	snop;
	(pc) =	sbr.rel @p0 .LBB2_2-.Ltmp2, $4  }
0xb4: {  	s30 =	sadd.s32 s16, s9  }
0xb5: {  	[hbm4b:s30+s3] =	stream.linear.scatter [tilespmem:s7], [sflag:$0x3], $0x2000, $0x38;
	[tilespmem:$0x18800] =	vst v63  }
0xb6: {  	s16 =	sadd.s32 s16, s10  }
0xb7: {  	[hbm4b:s16+s3] =	stream.linear.scatter [tilespmem:s13], [sflag:$0x3], $0x2000, $0x38;
	[tilespmem:$0x18800] =	vst v63  }
0xb8: {  	s16 =	rddreg [dreg:$0x4]  }
0xb9: {  	[tilespmem:s3], [sflag:$0x4] =	stream.linear.gather [hbm4b:s16+s3], $0x400, $0x38;
	[tilespmem:$0x18800] =	vst v63  }
0xba: {  	_ =	swait.ge [sflag:s18], $0x400  }
0xbb: {  	[sflag:s18] =	ssyncset.done $0x0  }
0xbc: {  	s25 =	simm.s32 $0x800;
	[sflag:s18] =	ssyncadd.s32 $0xFFFFFC00  }
0xbd: {  	[tilespmem:s25], [sflag:$0x1] =	stream.indirect.gather [hbm4b:s6+s19], $0x20, s3, s19, $0xb8;
	[tilespmem:$0x18800] =	vst v63  }
0xbe: {  	s26 =	simm.s32 $0x1800  }
0xbf: {  	[tilespmem:s26], [sflag:$0x1] =	stream.indirect.gather [hbm4b:s6+s19], $0x20, s19, s19, $0xb8;
	[tilespmem:$0x18800] =	vst v63  }
0xc0: {  	s28 =	simm.s32 $0x100;
	s29 =	simm.s32 $0x2800  }
0xc1: {  	[tilespmem:s29], [sflag:$0x1] =	stream.indirect.gather [hbm4b:s6+s19], $0x20, s28, s19, $0xb8;
	[tilespmem:$0x18800] =	vst v63  }
0xc2: {  	s30 =	simm.s32 $0x180;
	s21 =	simm.s32 $0x3800  }
0xc3: {  	[tilespmem:s21], [sflag:$0x1] =	stream.indirect.gather [hbm4b:s6+s19], $0x20, s30, s19, $0xb8;
	[tilespmem:$0x18800] =	vst v63  }
0xc4: {  	s22 =	simm.s32 $0x200;
	s17 =	simm.s32 $0x4800  }
0xc5: {  	[tilespmem:s17], [sflag:$0x1] =	stream.indirect.gather [hbm4b:s6+s19], $0x20, s22, s19, $0xb8;
	[tilespmem:$0x18800] =	vst v63  }
0xc6: {  	s23 =	simm.s32 $0x280;
	s24 =	simm.s32 $0x5800  }
0xc7: {  	[tilespmem:s24], [sflag:$0x1] =	stream.indirect.gather [hbm4b:s6+s19], $0x20, s23, s19, $0xb8;
	[tilespmem:$0x18800] =	vst v63  }
0xc8: {  	s20 =	simm.s32 $0x300;
	s21 =	simm.s32 $0x6800  }
0xc9: {  	[tilespmem:s21], [sflag:$0x1] =	stream.indirect.gather [hbm4b:s6+s19], $0x20, s20, s19, $0xb8;
	[tilespmem:$0x18800] =	vst v63  }
0xca: {  	s22 =	simm.s32 $0x380;
	s23 =	simm.s32 $0x7800  }
0xcb: {  	[tilespmem:s23], [sflag:$0x1] =	stream.indirect.gather [hbm4b:s6+s19], $0x20, s22, s19, $0xb8;
	[tilespmem:$0x18800] =	vst v63  }
0xcc: {  	_ =	swait.ge [sflag:s31], $0x8000  }
0xcd: {  	[sflag:s31] =	ssyncset.done $0x0  }
0xce: {  	[sflag:s31] =	ssyncadd.s32 $0xFFFF8000  }
0xcf: {  	_ =	swait.ge [sflag:s15], $0x8000  }
0xd0: {  	[sflag:s15] =	ssyncset.done $0x0  }
0xd1: {  	s24 =	simm.s32 $0x840;
	[sflag:s15] =	ssyncadd.s32 $0xFFFF8000  }
0xd2: {  	s22 =	simm.s32 $0x0;
	v19 =	vld [tilespmem:s24+$0xFFFFFFD0]  }
0xd3: {  	s20 =	simm.s32 $0x0;
	s16 =	sand.u32 $0xFFFFFC00, s22;
	v6 =	vld [tilespmem:s24+$0x30]  }
0xd4: {  	s21 =	simm.s32 $0x1;
	s20 =	sand.u32 $0x7C, s20;
	v2 =	vor.u32 s16, v0;
	v10 =	vld [tilespmem:s24+$0xFFFFFFF0]  }
0xd5: {  	s21 =	sand.u32 $0x7D, s21;
	s22 =	simm.s32 $0x2;
	v5 =	vor.u32 s20, v2;
	v4 =	vld [tilespmem:s24+$0xFFFFFFC0]  }
0xd6: {  	s23 =	simm.s32 $0x3;
	s22 =	sand.u32 $0x7E, s22;
	v7 =	vor.u32 s21, v2;
	v8 =	vld [tilespmem:s24+$0xFFFFFFE0]  }
0xd7: {  	s23 =	sand.u32 $0x7F, s23;
	v11 =	vor.u32 s22, v2;
	v9 =	vld [tilespmem:s24+$0x0]  }
0xd8: {  	v12 =	vor.u32 s16, v1;
	s16 =	simm.s32 $0x8C0;
	v14 =	vor.u32 s23, v2;
	v13 =	vld [tilespmem:s24+$0x20]  }
0xd9: {  	v15 =	vor.u32 s23, v12;
	v2 =	vld [tilespmem:s16+$0xFFFFFFD0]  }
0xda: {  	v16 =	vor.u32 s21, v12;
	s23 =	simm.s32 $0x20;
	v3 =	vld [tilespmem:s16+$0x30];
	[tilespmem:v5+s1+$0x0] =	vst.idx.msk $0xffff, v4  }
0xdb: {  	s17 =	simm.s32 $0x4;
	v20 =	vor.u32 s20, v12;
	s20 =	sand.u32 $0xFFFFFC00, s23;
	[tilespmem:v7+s1+$0x0] =	vst.idx.msk $0xffff, v8;
	v7 =	vld [tilespmem:s24+$0x10]  }
0xdc: {  	s23 =	sand.u32 $0x7C, s17;
	v17 =	vor.u32 s20, v0;
	s24 =	simm.s32 $0x5;
	v8 =	vld [tilespmem:s16+$0xFFFFFFF0];
	[tilespmem:v11+s1+$0x0] =	vst.idx.msk $0xffff, v9;
	v5 =	vor.u32 s22, v12  }
0xdd: {  	v21 =	vor.u32 s20, v1;
	s20 =	simm.s32 $0x6;
	v9 =	vld [tilespmem:s16+$0xFFFFFFC0];
	[tilespmem:v14+s1+$0x0] =	vst.idx.msk $0xffff, v13;
	v12 =	vor.u32 s23, v17;
	s21 =	sand.u32 $0x7D, s24  }
0xde: {  	s20 =	sand.u32 $0x7E, s20;
	v13 =	vld [tilespmem:s16+$0xFFFFFFE0];
	s24 =	simm.s32 $0x7;
	[tilespmem:v15+s1+$0x0] =	vst.idx.msk $0xffff, v6;
	v11 =	vor.u32 s21, v17  }
0xdf: {  	v18 =	vor.u32 s20, v21;
	v14 =	vld [tilespmem:s16+$0x0];
	v15 =	vor.u32 s20, v17;
	[tilespmem:v16+s1+$0x0] =	vst.idx.msk $0xffff, v10;
	v4 =	vor.u32 s21, v21;
	s21 =	sand.u32 $0x7F, s24  }
0xe0: {  	v6 =	vor.u32 s23, v21;
	v16 =	vld [tilespmem:s16+$0x20];
	s20 =	simm.s32 $0x940;
	[tilespmem:v20+s1+$0x0] =	vst.idx.msk $0xffff, v19;
	v10 =	vor.u32 s21, v21;
	v17 =	vor.u32 s21, v17  }
.LBB2_8:
0xe1: {  	v19 =	vld [tilespmem:s20+$0xFFFFFFD0];
	s21 =	sadd.s32 $0x5, s17;
	[tilespmem:v5+s1+$0x0] =	vst.idx.msk $0xffff, v7;
	v20 =	vmov v8;
	v5 =	vmov v18;
	s22 =	smov.u32 s17;
	s17 =	sadd.s32 $0x4, s17  }
0xe2: {  	s23 =	sand.u32 $0x7C, s17;
	s24 =	sshll.u32 s17, $0x3;
	s21 =	sand.u32 $0x7D, s21;
	v21 =	vld [tilespmem:s20+$0x30];
	[tilespmem:v12+s1+$0x0] =	vst.idx.msk $0xffff, v9  }
0xe3: {  	p0 =	slt.u32 s17, $0x3FC;
	s24 =	sand.u32 $0xFFFFFC00, s24;
	[tilespmem:v11+s1+$0x0] =	vst.idx.msk $0xffff, v13;
	v7 =	vld [tilespmem:s16+$0x10];
	s16 =	smov.u32 s20  }
.Ltmp3:
0xe4: {  	v22 =	vor.u32 s24, v0;
	v18 =	vor.u32 s24, v1;
	v8 =	vld [tilespmem:s20+$0xFFFFFFF0];
	s24 =	sadd.s32 $0x7, s22;
	[tilespmem:v15+s1+$0x0] =	vst.idx.msk $0xffff, v14;
	(pc) =	sbr.rel @p0 .LBB2_8-.Ltmp3, $4  }
0xe5: {  	v9 =	vld [tilespmem:s20+$0xFFFFFFC0];
	v12 =	vor.u32 s23, v22;
	v11 =	vor.u32 s21, v22;
	v23 =	vor.u32 s21, v18;
	s21 =	sadd.s32 $0x6, s22;
	s22 =	sand.u32 $0x7F, s24;
	[tilespmem:v17+s1+$0x0] =	vst.idx.msk $0xffff, v16  }
0xe6: {  	v24 =	vor.u32 s23, v18;
	v13 =	vld [tilespmem:s20+$0xFFFFFFE0];
	s21 =	sand.u32 $0x7E, s21;
	[tilespmem:v10+s1+$0x0] =	vst.idx.msk $0xffff, v3;
	v10 =	vor.u32 s22, v18  }
0xe7: {  	v14 =	vld [tilespmem:s20+$0x0];
	v15 =	vor.u32 s21, v22;
	v18 =	vor.u32 s21, v18;
	[tilespmem:v4+s1+$0x0] =	vst.idx.msk $0xffff, v20;
	v3 =	vmovc v21;
	v4 =	vmov v23  }
0xe8: {  	v17 =	vor.u32 s22, v22;
	s20 =	sadd.s32 $0x80, s20;
	v16 =	vld [tilespmem:s16+$0x20];
	[tilespmem:v6+s1+$0x0] =	vst.idx.msk $0xffff, v2;
	v2 =	vmov v19;
	v6 =	vmov v24  }
0xe9: {  	_ =	sdelay $0x3  }
0xea: {  	[tilespmem:v5+s1+$0x0] =	vst.idx.msk $0xffff, v7  }
0xeb: {  	[tilespmem:v12+s1+$0x0] =	vst.idx.msk $0xffff, v9  }
0xec: {  	[tilespmem:v11+s1+$0x0] =	vst.idx.msk $0xffff, v13  }
0xed: {  	v63 =	vld [tilespmem:s16+$0x10];
	[tilespmem:v6+s1+$0x0] =	vst.idx.msk $0xffff, v2  }
0xee: {  	[tilespmem:v15+s1+$0x0] =	vst.idx.msk $0xffff, v14  }
0xef: {  	[tilespmem:v4+s1+$0x0] =	vst.idx.msk $0xffff, v8  }
0xf0: {  	[tilespmem:v17+s1+$0x0] =	vst.idx.msk $0xffff, v16  }
0xf1: {  	[tilespmem:v10+s1+$0x0] =	vst.idx.msk $0xffff, v3  }
0xf2: {  	[tilespmem:v18+s1+$0x0] =	vst.idx.msk $0xffff, v63  }
0xf3: {  	s20 =	rddreg [dreg:$0x5]  }
0xf4: {  	[hbm4b:s20+s3] =	stream.linear.scatter [tilespmem:s1], [sflag:$0x3], $0x2000, $0x38;
	[tilespmem:$0x18800] =	vst v63  }
0xf5: {  	s21 =	rddreg [dreg:$0x6]  }
0xf6: {  	[hbm4b:s21+s3] =	stream.linear.scatter [tilespmem:s0], [sflag:$0x3], $0x2000, $0x38;
	[tilespmem:$0x18800] =	vst v63  }
0xf7: {  	s22 =	rddreg [dreg:$0x7]  }
0xf8: {  	[hbm4b:s22+s3] =	stream.linear.scatter [tilespmem:s7], [sflag:$0x3], $0x2000, $0x38;
	[tilespmem:$0x18800] =	vst v63  }
0xf9: {  	s23 =	rddreg [dreg:$0x8]  }
0xfa: {  	[hbm4b:s23+s3] =	stream.linear.scatter [tilespmem:s13], [sflag:$0x3], $0x2000, $0x38;
	[tilespmem:$0x18800] =	vst v63  }
0xfb: {  	_ =	swait.ge [sflag:s15], $0x8000  }
0xfc: {  	s17 =	rddreg [dreg:$0xa]  }
0xfd: {  	s24 =	rddreg [dreg:$0x9];
	s17 =	sadd.s32 $0x1, s17  }
0xfe: {  	p0 =	sne.s32 s17, s24  }
.Ltmp4:
0xff: {  	_ = 	snop;
	(pc) =	sbr.rel @p0 .LBB2_1-.Ltmp4, $3  }
0x100: {  	_ =	sdelay $0x1  }
0x101: {  	[sflag:s15] =	ssyncset.done $0x0  }
0x102: {  	[sflag:s15] =	ssyncadd.s32 $0xFFFF8000  }
0x103: {  	_ =	sfence.sel $0x180000  }
0x104: {  	[bflag:$0x0] =	sbarrier.arrive $0xFFFF  }
0x105: {  	_ =	strace $0x90000047  }
0x106: {  	s0 =	stileid.u32;
	[bflag:$0x2] =	sbarrier.arrive $0xFFFF  }
0x107: {  	p0 =	sne.s32 s0, $0x0;
	s0 =	rddreg [dreg:$0x2]  }
0x108: {  	s0 =	sadd.s32 @!p0 $0x100000, s0  }
0x109: {  	[sflag:s0] =	ssyncadd.tile.s32 @!p0 $0x1;
	_ =	shalt  }
.Lfunc_end2:
_tile_overlayer_lowered:
.L_overlay_start_2:
0x10a: {  	(tag) =	ssettag $0x2  }
0x10b: {  	s0 =	rddreg [dreg:$0x0];
	s2 =	stileid.u32  }
0x10c: {  	s1 =	rddreg [dreg:$0x1];
	p0 =	sne.s32 s2, $0x0  }
0x10d: {  	s3 =	rddreg [dreg:$0x2];
	[bflag:$0x3] =	sbarrier.arrive $0xFFFF;
	s2 =	simm.s32 @!p0 $0x1C04  }
0x10e: {  	[timem:s3], [sflag:s2] =	dma.local @!p0 [hbm:s0], s1  }
0x10f: {  	s0 =	simm.s32 @!p0 $0x4  }
0x110: {  	_ =	swait.ge @!p0 [sflag:s0], s1  }
0x111: {  	s1 =	ssub.s32 @!p0 $0x0, s1;
	[sflag:s0] =	ssyncset.done @!p0 $0x0  }
0x112: {  	[sflag:s0] =	ssyncadd.s32 @!p0 s1  }
0x113: {  	[bflag:$0x3] =	sbarrier.arrive $0xFFFF  }
0x114: {  	_ =	shalt  }

</sc_bundles>
